<compile_context>
chip_gen: v7x
topology: tpu7x:2x2x1
jax: 0.10.2.dev20260603
libtpu: 0.0.44.dev20260713+nightly
codegen_flags: <defaults>
</compile_context>

<pallas_src>
import functools

import jax
import jax.numpy as jnp
from jax import lax
from jax.experimental import pallas as pl
from jax.experimental.pallas import tpu as pltpu
from jax.experimental.pallas import tpu_sc as plsc

_NW = 32
_RPD = 128


def _tbl_body(xyz_ref, feat_ref, ipad_ref, out_ref, *, nb_data, nd):
    i = pl.program_id(0)

    @pl.when(i < nb_data)
    def _():
        x = xyz_ref[0]
        f = feat_ref[0]
        w = x.shape[2]
        X = jnp.concatenate([x, f], axis=0)
        xh = X.astype(jnp.bfloat16).astype(jnp.float32)
        xl = X - xh
        dims = (((0,), (0,)), ((), ()))
        r = lax.dot_general(xh, ipad_ref[...], dims,
                            preferred_element_type=jnp.float32)
        r = r + lax.dot_general(xl, ipad_ref[...], dims,
                                preferred_element_type=jnp.float32)
        out_ref[...] = r.reshape(8 * w, 128)

    @pl.when(i >= nb_data)
    def _():
        out_ref[...] = jnp.zeros_like(out_ref)


def _make_gather(nb, nd):
    per_w = nb // _NW
    ndma = per_w // _RPD

    @functools.partial(
        pl.kernel,
        mesh=plsc.VectorSubcoreMesh(core_axis_name="c", subcore_axis_name="s"),
        out_type=jax.ShapeDtypeStruct((nb, nd), jnp.float32),
        scratch_types=[
            pltpu.VMEM((ndma, _RPD), jnp.int32),
            pltpu.VMEM((_RPD, nd), jnp.float32),
            pltpu.SemaphoreType.DMA,
        ],
        compiler_params=pltpu.CompilerParams(use_tc_tiling_on_sc=False),
    )
    def gather_kernel(tbl_hbm, idx_hbm, out_hbm, idx_v, rows_v, sem):
        wid = lax.axis_index("s") * 2 + lax.axis_index("c")
        pltpu.sync_copy(idx_hbm.at[pl.ds(wid * ndma, ndma)], idx_v)
        base = wid * per_w

        def body(j, carry):
            pltpu.async_copy(tbl_hbm.at[idx_v.at[j]], rows_v, sem).wait()
            pltpu.sync_copy(rows_v, out_hbm.at[pl.ds(base + j * _RPD, _RPD)])
            return carry

        lax.fori_loop(0, ndma, body, 0)

    return gather_kernel


def _tc_body(g_ref, samp_ref, w1_ref, b1_ref, w2_ref, b2_ref, wl_ref, bl_ref,
             out_ref, *, mt, kk, nd, nh, nj):
    g = g_ref[:, 0:nd]
    g3 = g.reshape(mt, kk, nd)
    s = samp_ref[0].T
    xyzn = g3[:, :, 0:3] - s[:, None, :]
    x2 = xyzn.reshape(mt * kk, 3)
    hid = jnp.dot(x2, w1_ref[...], preferred_element_type=jnp.float32)
    hid = hid + b1_ref[...]
    hid = jnp.where(hid >= 0, hid, 0.1 * hid)
    wts = jnp.dot(hid, w2_ref[...], preferred_element_type=jnp.float32)
    wts = wts + b2_ref[...]
    wts = jnp.where(wts >= 0, wts, 0.1 * wts)
    w3 = wts.reshape(mt, kk, nj)
    acc = jax.lax.dot_general(
        w3, g3, (((1,), (1,)), ((0,), (0,))),
        preferred_element_type=jnp.float32)
    flat = acc.reshape(mt, nj * nd)
    o = jnp.dot(flat, wl_ref[...], preferred_element_type=jnp.float32)
    o = o + bl_ref[...]
    out_ref[...] = jnp.where(o >= 0, o, 0.1 * o).T


def kernel(xyz, features, sampled_xyz, knn_indices, valid_knn_mask,
           w1, b1, w2, b2, w_lin, b_lin):
    B, C, H, W = features.shape
    hh, ww = sampled_xyz.shape[2], sampled_xyz.shape[3]
    N = H * W
    M = hh * ww
    K = knn_indices.shape[2]
    CF = C + 3
    ND = 48
    NH = w1.shape[0]
    NJ = w2.shape[0]
    OC = w_lin.shape[0]

    TB = 8 * W
    npb = H // 8
    nb_data = B * npb
    ipad = jnp.pad(jnp.eye(CF, dtype=jnp.float32), ((0, 0), (0, 128 - CF)))
    tbl = pl.pallas_call(
        functools.partial(_tbl_body, nb_data=nb_data, nd=ND),
        grid=(nb_data + 1,),
        in_specs=[
            pl.BlockSpec((1, 3, 8, W), lambda i: (jnp.minimum(i, nb_data - 1) // npb, 0,
                                                  jnp.minimum(i, nb_data - 1) % npb, 0)),
            pl.BlockSpec((1, C, 8, W), lambda i: (jnp.minimum(i, nb_data - 1) // npb, 0,
                                                  jnp.minimum(i, nb_data - 1) % npb, 0)),
            pl.BlockSpec((CF, 128), lambda i: (0, 0)),
        ],
        out_specs=pl.BlockSpec((TB, 128), lambda i: (i, 0)),
        out_shape=jax.ShapeDtypeStruct((B * N + TB, 128), jnp.float32),
    )(xyz, features, ipad)

    offs = (jnp.arange(B, dtype=jnp.int32) * N)[:, None, None]
    idx = knn_indices.astype(jnp.int32) + offs
    idx = jnp.where(valid_knn_mask, idx, B * N)
    idx2 = idx.reshape(-1, _RPD)

    w1t = w1.T
    w2t = w2.T
    wlp = jnp.pad(w_lin.reshape(OC, NJ, CF), ((0, 0), (0, 0), (0, ND - CF)))
    wlp = wlp.reshape(OC, NJ * ND).T
    b1r = b1.reshape(1, NH)
    b2r = b2.reshape(1, NJ)
    blr = b_lin.reshape(1, OC)

    MT = 512
    NCH = 2 * B
    MC = M // (NCH // B)
    tpb = MC // MT
    nrows_h = idx2.shape[0] // NCH

    gather_fn = _make_gather(MC * K, 128)
    gs = [gather_fn(tbl, idx2[c * nrows_h:(c + 1) * nrows_h]) for c in range(NCH)]
    samp3 = sampled_xyz.reshape(B, 3, M)

    compute = pl.pallas_call(
        functools.partial(_tc_body, mt=MT, kk=K, nd=ND, nh=NH, nj=NJ),
        grid=(tpb,),
        in_specs=[
            pl.BlockSpec((MT * K, 128), lambda i: (i, 0)),
            pl.BlockSpec((1, 3, MT), lambda i: (0, 0, i)),
            pl.BlockSpec((3, NH), lambda i: (0, 0)),
            pl.BlockSpec((1, NH), lambda i: (0, 0)),
            pl.BlockSpec((NH, NJ), lambda i: (0, 0)),
            pl.BlockSpec((1, NJ), lambda i: (0, 0)),
            pl.BlockSpec((NJ * ND, OC), lambda i: (0, 0)),
            pl.BlockSpec((1, OC), lambda i: (0, 0)),
        ],
        out_specs=pl.BlockSpec((OC, MT), lambda i: (0, i)),
        out_shape=jax.ShapeDtypeStruct((OC, MC), jnp.float32),
    )
    os_ = [compute(gs[c],
                   samp3[c // 2:c // 2 + 1, :, (c % 2) * MC:(c % 2) * MC + MC],
                   w1t, b1r, w2t, b2r, wlp, blr)
           for c in range(NCH)]
    o = jnp.stack(os_)

    return o.reshape(B, 2, OC, MC).transpose(0, 2, 1, 3).reshape(B, OC, hh, ww)

# --- scband reference (transcript-rebuilt; emitter-appended) ---
"""Pipeline reference for scband-point-conv-90323162235005 (READ-ONLY COPY).

The authoritative reference and input builder live on the scoring server;
editing this copy changes nothing except your own understanding.
"""

import jax, jax.numpy as jnp
import numpy as np

def leaky_relu(x):
    return jnp.where(x >= 0, x, 0.1 * x)

def mask_select_cf(feat, idx, mask):
    # feat [B, C, N], idx [B, M, K], mask [B, M, K] -> [B, C, M, K]
    g = jax.vmap(lambda f, i: f[:, i])(feat, idx)
    return g * mask[:, None, :, :].astype(g.dtype)

def mask_select_cl(feat, idx, mask):
    # feat [B, N, C], idx [B, M, K], mask [B, M, K] -> [B, M, K, C]
    g = jax.vmap(lambda f, i: f[i])(feat, idx)
    return g * mask[..., None].astype(g.dtype)

def setup_inputs(seed: int = 0):
    key = jax.random.key(seed)
    ks = jax.random.split(key, 10)
    B, H, W = 2, 512, 512
    h, w = 128, 128
    C, out_c, k = 32, 32, 16
    inp = {}
    inp["xyz"] = jax.random.normal(ks[0], (B, 3, H, W), jnp.float32)
    inp["features"] = jax.random.normal(ks[1], (B, C, H, W), jnp.float32)
    inp["sampled_xyz"] = jax.random.normal(ks[2], (B, 3, h, w), jnp.float32)
    inp["knn_indices"] = jax.random.randint(ks[3], (B, h * w, k), 0, H * W)
    inp["valid_knn_mask"] = jnp.ones((B, h * w, k), dtype=bool)
    # weight_net = MLP2d(3, [8, 16]) as 1x1 convs
    inp["w1"] = jax.random.normal(ks[4], (8, 3), jnp.float32) * 0.3
    inp["b1"] = jnp.zeros((8,), jnp.float32)
    inp["w2"] = jax.random.normal(ks[5], (16, 8), jnp.float32) * 0.3
    inp["b2"] = jnp.zeros((16,), jnp.float32)
    # linear: 16*(C+3) -> out_c
    inp["w_lin"] = jax.random.normal(ks[6], (out_c, 16 * (C + 3)), jnp.float32) * 0.04
    inp["b_lin"] = jnp.zeros((out_c,), jnp.float32)
    return inp

def reference(xyz, features, sampled_xyz, knn_indices, valid_knn_mask, w1, b1, w2, b2, w_lin, b_lin):
    B, C, H, W = features.shape
    h, w = sampled_xyz.shape[2], sampled_xyz.shape[3]
    feats = jnp.concatenate([xyz, features], axis=1).reshape(B, C + 3, H * W)
    feats_cl = jnp.transpose(feats, (0, 2, 1))  # [B, H*W, C+3]
    knn_xyz = mask_select_cf(xyz.reshape(B, 3, H * W), knn_indices, valid_knn_mask)  # [B,3,M,K]
    new_xyz = sampled_xyz.reshape(B, 3, -1)
    knn_xyz_norm = knn_xyz - new_xyz[:, :, :, None]
    # weight_net: MLP2d via 1x1 convs with leaky_relu(0.1)
    hid = leaky_relu(jnp.einsum('oc,bcmk->bomk', w1, knn_xyz_norm) + b1[None, :, None, None])
    weights = leaky_relu(jnp.einsum('oc,bcmk->bomk', w2, hid) + b2[None, :, None, None])  # [B,16,M,K]
    weights = jnp.transpose(weights, (0, 2, 1, 3))  # [B,M,16,K]
    knn_feats = mask_select_cl(feats_cl, knn_indices, valid_knn_mask)  # [B,M,K,C+3]
    out = jnp.matmul(weights, knn_feats)  # [B,M,16,C+3]
    out = out.reshape(B, h * w, -1)
    out = out @ w_lin.T + b_lin  # [B, M, out_c]
    # norm = Identity, act = leaky_relu(0.1)
    out = leaky_relu(jnp.transpose(out, (0, 2, 1)))
    return out.reshape(B, -1, h, w)

if __name__ == "__main__":
    import jax
    _d = setup_inputs()
    print(jax.jit(kernel)(*tuple(_d.values())))

</pallas_src>

<mosaic_0001>
#map = affine_map<(d0, d1) -> (0, 0)>
module attributes {stable_mosaic.version = 14 : i64} {
  func.func @gather_kernel(%arg0: i32, %arg1: i32, %arg2: memref<528384x128xf32, #tpu.memory_space<hbm>>, %arg3: memref<1024x128xi32, #tpu.memory_space<hbm>>, %arg4: memref<131072x128xf32, #tpu.memory_space<hbm>>, %arg5: memref<32x128xi32, #tpu.memory_space<vmem>>, %arg6: memref<128x128xf32, #tpu.memory_space<vmem>>, %arg7: memref<!tpu.dma_semaphore, #tpu.memory_space<semaphore_mem>>) attributes {dimension_semantics = [#tpu.dimension_semantics<core_parallel>, #tpu.dimension_semantics<subcore_parallel>], iteration_bounds = array<i64: 2, 16>, scalar_prefetch = 0 : i64, scratch_operands = 3 : i64, tpu.core_type = #tpu.core_type<sc_vector_subcore>, window_params = [{transform_indices = #map}, {transform_indices = #map}, {transform_indices = #map}]} {
    %mul3A = arith.constant 2 : i32
    %mul3A_0 = arith.muli %arg1, %mul3A : i32
    %add3A = arith.addi %mul3A_0, %arg0 : i32
    %mul3A_1 = arith.constant 32 : i32
    %mul3A_2 = arith.muli %add3A, %mul3A_1 : i32
    "tpu.region"() ({
      %run_scoped3A = tpu.sem_alloc : memref<!tpu.dma_semaphore, #tpu.memory_space<semaphore_mem>>
      %dma_start3A = arith.constant 0 : i32
      %dma_start3A_10 = tpu.memref_slice %arg3[%mul3A_2, %dma_start3A] : memref<1024x128xi32, #tpu.memory_space<hbm>> -> memref<32x128xi32, #tpu.memory_space<hbm>>
      %dma_start3A_11 = arith.constant 0 : i32
      %dma_start3A_12 = tpu.memref_slice %arg3[%mul3A_2, %dma_start3A_11] : memref<1024x128xi32, #tpu.memory_space<hbm>> -> memref<32x128xi32, #tpu.memory_space<hbm>>
      tpu.enqueue_dma source(%dma_start3A_12 : memref<32x128xi32, #tpu.memory_space<hbm>>) target(%arg5 : memref<32x128xi32, #tpu.memory_space<vmem>>) target_semaphore(%run_scoped3A : memref<!tpu.dma_semaphore, #tpu.memory_space<semaphore_mem>>)
      %dma_wait3A = arith.constant 0 : i32
      %dma_wait3A_13 = tpu.memref_slice %arg3[%mul3A_2, %dma_wait3A] : memref<1024x128xi32, #tpu.memory_space<hbm>> -> memref<32x128xi32, #tpu.memory_space<hbm>>
      %dma_wait3A_14 = arith.constant 0 : i32
      %dma_wait3A_15 = tpu.memref_slice %arg3[%mul3A_2, %dma_wait3A_14] : memref<1024x128xi32, #tpu.memory_space<hbm>> -> memref<32x128xi32, #tpu.memory_space<hbm>>
      tpu.wait_dma2 semaphore(%run_scoped3A : memref<!tpu.dma_semaphore, #tpu.memory_space<semaphore_mem>>) src(%dma_wait3A_15 : memref<32x128xi32, #tpu.memory_space<hbm>>) dst(%arg5 : memref<32x128xi32, #tpu.memory_space<vmem>>)
      tpu.yield
    }) : () -> ()
    %mul3A_3 = arith.constant 4096 : i32
    %mul3A_4 = arith.muli %add3A, %mul3A_3 : i32
    %scan3A = arith.constant 0 : i32
    %scan3A_5 = arith.constant 0 : i32
    %scan3A_6 = arith.constant 32 : i32
    %scan3A_7 = arith.addi %scan3A_5, %scan3A_6 : i32
    %scan3A_8 = arith.constant 1 : i32
    scf.for %scan3A_10 = %scan3A_5 to %scan3A_7 step %scan3A_8  : i32 {
      %dma_start3A = arith.constant 0 : i32
      %dma_start3A_11 = tpu.memref_slice %arg5[%scan3A_10, %dma_start3A] : memref<32x128xi32, #tpu.memory_space<vmem>> -> memref<1x128xi32, #tpu.memory_space<vmem>>
      %dma_start3A_12 = tpu.memref_squeeze %dma_start3A_11 : memref<1x128xi32, #tpu.memory_space<vmem>> -> memref<128xi32, #tpu.memory_space<vmem>>
      %dma_start3A_13 = arith.constant 0 : i32
      %dma_start3A_14 = arith.constant 0 : i32
      %dma_start3A_15 = tpu.memref_slice %arg2[%dma_start3A_13, %dma_start3A_14] : memref<528384x128xf32, #tpu.memory_space<hbm>> -> memref<528384x128xf32, #tpu.memory_space<hbm>>
      tpu.enqueue_indirect_dma source(%dma_start3A_15 : memref<528384x128xf32, #tpu.memory_space<hbm>>) target(%arg6 : memref<128x128xf32, #tpu.memory_space<vmem>>) offsets(%dma_start3A_12 : memref<128xi32, #tpu.memory_space<vmem>>) semaphore(%arg7 : memref<!tpu.dma_semaphore, #tpu.memory_space<semaphore_mem>>)
      %dma_wait3A = arith.constant 0 : i32
      %dma_wait3A_16 = tpu.memref_slice %arg5[%scan3A_10, %dma_wait3A] : memref<32x128xi32, #tpu.memory_space<vmem>> -> memref<1x128xi32, #tpu.memory_space<vmem>>
      %dma_wait3A_17 = tpu.memref_squeeze %dma_wait3A_16 : memref<1x128xi32, #tpu.memory_space<vmem>> -> memref<128xi32, #tpu.memory_space<vmem>>
      %dma_wait3A_18 = arith.constant 0 : i32
      %dma_wait3A_19 = arith.constant 0 : i32
      %dma_wait3A_20 = tpu.memref_slice %arg2[%dma_wait3A_18, %dma_wait3A_19] : memref<528384x128xf32, #tpu.memory_space<hbm>> -> memref<528384x128xf32, #tpu.memory_space<hbm>>
      tpu.wait_indirect_dma semaphore(%arg7 : memref<!tpu.dma_semaphore, #tpu.memory_space<semaphore_mem>>) src(%dma_wait3A_20 : memref<528384x128xf32, #tpu.memory_space<hbm>>) dst(%arg6 : memref<128x128xf32, #tpu.memory_space<vmem>>)
      %mul3A_21 = arith.constant 128 : i32
      %mul3A_22 = arith.muli %scan3A_10, %mul3A_21 : i32
      %add3A_23 = arith.addi %mul3A_4, %mul3A_22 : i32
      "tpu.region"() ({
        %run_scoped3A = tpu.sem_alloc : memref<!tpu.dma_semaphore, #tpu.memory_space<semaphore_mem>>
        %dma_start3A_24 = arith.constant 0 : i32
        %dma_start3A_25 = tpu.memref_slice %arg4[%add3A_23, %dma_start3A_24] : memref<131072x128xf32, #tpu.memory_space<hbm>> -> memref<128x128xf32, #tpu.memory_space<hbm>>
        %dma_start3A_26 = arith.constant 0 : i32
        %dma_start3A_27 = tpu.memref_slice %arg4[%add3A_23, %dma_start3A_26] : memref<131072x128xf32, #tpu.memory_space<hbm>> -> memref<128x128xf32, #tpu.memory_space<hbm>>
        tpu.enqueue_dma source(%arg6 : memref<128x128xf32, #tpu.memory_space<vmem>>) target(%dma_start3A_27 : memref<128x128xf32, #tpu.memory_space<hbm>>) target_semaphore(%run_scoped3A : memref<!tpu.dma_semaphore, #tpu.memory_space<semaphore_mem>>)
        %dma_wait3A_28 = arith.constant 0 : i32
        %dma_wait3A_29 = tpu.memref_slice %arg4[%add3A_23, %dma_wait3A_28] : memref<131072x128xf32, #tpu.memory_space<hbm>> -> memref<128x128xf32, #tpu.memory_space<hbm>>
        %dma_wait3A_30 = arith.constant 0 : i32
        %dma_wait3A_31 = tpu.memref_slice %arg4[%add3A_23, %dma_wait3A_30] : memref<131072x128xf32, #tpu.memory_space<hbm>> -> memref<128x128xf32, #tpu.memory_space<hbm>>
        tpu.wait_dma2 semaphore(%run_scoped3A : memref<!tpu.dma_semaphore, #tpu.memory_space<semaphore_mem>>) src(%arg6 : memref<128x128xf32, #tpu.memory_space<vmem>>) dst(%dma_wait3A_31 : memref<128x128xf32, #tpu.memory_space<hbm>>)
        tpu.yield
      }) : () -> ()
    }
    %scan3A_9 = arith.constant 32 : i32
    return
  }
}

#map = affine_map<(d0, d1) -> (0, 0)>
module attributes {stable_mosaic.version = 14 : i64} {
  func.func @gather_kernel(%arg0: i32, %arg1: i32, %arg2: memref<528384x128xf32, #tpu.memory_space<hbm>>, %arg3: memref<1024x128xi32, #tpu.memory_space<hbm>>, %arg4: memref<131072x128xf32, #tpu.memory_space<hbm>>, %arg5: memref<32x128xi32, #tpu.memory_space<vmem>>, %arg6: memref<128x128xf32, #tpu.memory_space<vmem>>, %arg7: memref<!tpu.dma_semaphore, #tpu.memory_space<semaphore_mem>>) attributes {dimension_semantics = [#tpu.dimension_semantics<core_parallel>, #tpu.dimension_semantics<subcore_parallel>], iteration_bounds = array<i64: 2, 16>, scalar_prefetch = 0 : i64, scratch_operands = 3 : i64, tpu.core_type = #tpu.core_type<sc_vector_subcore>, window_params = [{transform_indices = #map}, {transform_indices = #map}, {transform_indices = #map}]} {
    %mul3A = arith.constant 2 : i32
    %mul3A_0 = arith.muli %arg1, %mul3A : i32
    %add3A = arith.addi %mul3A_0, %arg0 : i32
    %mul3A_1 = arith.constant 32 : i32
    %mul3A_2 = arith.muli %add3A, %mul3A_1 : i32
    "tpu.region"() ({
      %run_scoped3A = tpu.sem_alloc : memref<!tpu.dma_semaphore, #tpu.memory_space<semaphore_mem>>
      %dma_start3A = arith.constant 0 : i32
      %dma_start3A_10 = tpu.memref_slice %arg3[%mul3A_2, %dma_start3A] : memref<1024x128xi32, #tpu.memory_space<hbm>> -> memref<32x128xi32, #tpu.memory_space<hbm>>
      %dma_start3A_11 = arith.constant 0 : i32
      %dma_start3A_12 = tpu.memref_slice %arg3[%mul3A_2, %dma_start3A_11] : memref<1024x128xi32, #tpu.memory_space<hbm>> -> memref<32x128xi32, #tpu.memory_space<hbm>>
      tpu.enqueue_dma source(%dma_start3A_12 : memref<32x128xi32, #tpu.memory_space<hbm>>) target(%arg5 : memref<32x128xi32, #tpu.memory_space<vmem>>) target_semaphore(%run_scoped3A : memref<!tpu.dma_semaphore, #tpu.memory_space<semaphore_mem>>)
      %dma_wait3A = arith.constant 0 : i32
      %dma_wait3A_13 = tpu.memref_slice %arg3[%mul3A_2, %dma_wait3A] : memref<1024x128xi32, #tpu.memory_space<hbm>> -> memref<32x128xi32, #tpu.memory_space<hbm>>
      %dma_wait3A_14 = arith.constant 0 : i32
      %dma_wait3A_15 = tpu.memref_slice %arg3[%mul3A_2, %dma_wait3A_14] : memref<1024x128xi32, #tpu.memory_space<hbm>> -> memref<32x128xi32, #tpu.memory_space<hbm>>
      tpu.wait_dma2 semaphore(%run_scoped3A : memref<!tpu.dma_semaphore, #tpu.memory_space<semaphore_mem>>) src(%dma_wait3A_15 : memref<32x128xi32, #tpu.memory_space<hbm>>) dst(%arg5 : memref<32x128xi32, #tpu.memory_space<vmem>>)
      tpu.yield
    }) : () -> ()
    %mul3A_3 = arith.constant 4096 : i32
    %mul3A_4 = arith.muli %add3A, %mul3A_3 : i32
    %scan3A = arith.constant 0 : i32
    %scan3A_5 = arith.constant 0 : i32
    %scan3A_6 = arith.constant 32 : i32
    %scan3A_7 = arith.addi %scan3A_5, %scan3A_6 : i32
    %scan3A_8 = arith.constant 1 : i32
    scf.for %scan3A_10 = %scan3A_5 to %scan3A_7 step %scan3A_8  : i32 {
      %dma_start3A = arith.constant 0 : i32
      %dma_start3A_11 = tpu.memref_slice %arg5[%scan3A_10, %dma_start3A] : memref<32x128xi32, #tpu.memory_space<vmem>> -> memref<1x128xi32, #tpu.memory_space<vmem>>
      %dma_start3A_12 = tpu.memref_squeeze %dma_start3A_11 : memref<1x128xi32, #tpu.memory_space<vmem>> -> memref<128xi32, #tpu.memory_space<vmem>>
      %dma_start3A_13 = arith.constant 0 : i32
      %dma_start3A_14 = arith.constant 0 : i32
      %dma_start3A_15 = tpu.memref_slice %arg2[%dma_start3A_13, %dma_start3A_14] : memref<528384x128xf32, #tpu.memory_space<hbm>> -> memref<528384x128xf32, #tpu.memory_space<hbm>>
      tpu.enqueue_indirect_dma source(%dma_start3A_15 : memref<528384x128xf32, #tpu.memory_space<hbm>>) target(%arg6 : memref<128x128xf32, #tpu.memory_space<vmem>>) offsets(%dma_start3A_12 : memref<128xi32, #tpu.memory_space<vmem>>) semaphore(%arg7 : memref<!tpu.dma_semaphore, #tpu.memory_space<semaphore_mem>>)
      %dma_wait3A = arith.constant 0 : i32
      %dma_wait3A_16 = tpu.memref_slice %arg5[%scan3A_10, %dma_wait3A] : memref<32x128xi32, #tpu.memory_space<vmem>> -> memref<1x128xi32, #tpu.memory_space<vmem>>
      %dma_wait3A_17 = tpu.memref_squeeze %dma_wait3A_16 : memref<1x128xi32, #tpu.memory_space<vmem>> -> memref<128xi32, #tpu.memory_space<vmem>>
      %dma_wait3A_18 = arith.constant 0 : i32
      %dma_wait3A_19 = arith.constant 0 : i32
      %dma_wait3A_20 = tpu.memref_slice %arg2[%dma_wait3A_18, %dma_wait3A_19] : memref<528384x128xf32, #tpu.memory_space<hbm>> -> memref<528384x128xf32, #tpu.memory_space<hbm>>
      tpu.wait_indirect_dma semaphore(%arg7 : memref<!tpu.dma_semaphore, #tpu.memory_space<semaphore_mem>>) src(%dma_wait3A_20 : memref<528384x128xf32, #tpu.memory_space<hbm>>) dst(%arg6 : memref<128x128xf32, #tpu.memory_space<vmem>>)
      %mul3A_21 = arith.constant 128 : i32
      %mul3A_22 = arith.muli %scan3A_10, %mul3A_21 : i32
      %add3A_23 = arith.addi %mul3A_4, %mul3A_22 : i32
      "tpu.region"() ({
        %run_scoped3A = tpu.sem_alloc : memref<!tpu.dma_semaphore, #tpu.memory_space<semaphore_mem>>
        %dma_start3A_24 = arith.constant 0 : i32
        %dma_start3A_25 = tpu.memref_slice %arg4[%add3A_23, %dma_start3A_24] : memref<131072x128xf32, #tpu.memory_space<hbm>> -> memref<128x128xf32, #tpu.memory_space<hbm>>
        %dma_start3A_26 = arith.constant 0 : i32
        %dma_start3A_27 = tpu.memref_slice %arg4[%add3A_23, %dma_start3A_26] : memref<131072x128xf32, #tpu.memory_space<hbm>> -> memref<128x128xf32, #tpu.memory_space<hbm>>
        tpu.enqueue_dma source(%arg6 : memref<128x128xf32, #tpu.memory_space<vmem>>) target(%dma_start3A_27 : memref<128x128xf32, #tpu.memory_space<hbm>>) target_semaphore(%run_scoped3A : memref<!tpu.dma_semaphore, #tpu.memory_space<semaphore_mem>>)
        %dma_wait3A_28 = arith.constant 0 : i32
        %dma_wait3A_29 = tpu.memref_slice %arg4[%add3A_23, %dma_wait3A_28] : memref<131072x128xf32, #tpu.memory_space<hbm>> -> memref<128x128xf32, #tpu.memory_space<hbm>>
        %dma_wait3A_30 = arith.constant 0 : i32
        %dma_wait3A_31 = tpu.memref_slice %arg4[%add3A_23, %dma_wait3A_30] : memref<131072x128xf32, #tpu.memory_space<hbm>> -> memref<128x128xf32, #tpu.memory_space<hbm>>
        tpu.wait_dma2 semaphore(%run_scoped3A : memref<!tpu.dma_semaphore, #tpu.memory_space<semaphore_mem>>) src(%arg6 : memref<128x128xf32, #tpu.memory_space<vmem>>) dst(%dma_wait3A_31 : memref<128x128xf32, #tpu.memory_space<hbm>>)
        tpu.yield
      }) : () -> ()
    }
    %scan3A_9 = arith.constant 32 : i32
    return
  }
}

#map = affine_map<(d0, d1) -> (0, 0)>
module attributes {stable_mosaic.version = 14 : i64} {
  func.func @gather_kernel(%arg0: i32, %arg1: i32, %arg2: memref<528384x128xf32, #tpu.memory_space<hbm>>, %arg3: memref<1024x128xi32, #tpu.memory_space<hbm>>, %arg4: memref<131072x128xf32, #tpu.memory_space<hbm>>, %arg5: memref<32x128xi32, #tpu.memory_space<vmem>>, %arg6: memref<128x128xf32, #tpu.memory_space<vmem>>, %arg7: memref<!tpu.dma_semaphore, #tpu.memory_space<semaphore_mem>>) attributes {dimension_semantics = [#tpu.dimension_semantics<core_parallel>, #tpu.dimension_semantics<subcore_parallel>], iteration_bounds = array<i64: 2, 16>, scalar_prefetch = 0 : i64, scratch_operands = 3 : i64, tpu.core_type = #tpu.core_type<sc_vector_subcore>, window_params = [{transform_indices = #map}, {transform_indices = #map}, {transform_indices = #map}]} {
    %mul3A = arith.constant 2 : i32
    %mul3A_0 = arith.muli %arg1, %mul3A : i32
    %add3A = arith.addi %mul3A_0, %arg0 : i32
    %mul3A_1 = arith.constant 32 : i32
    %mul3A_2 = arith.muli %add3A, %mul3A_1 : i32
    "tpu.region"() ({
      %run_scoped3A = tpu.sem_alloc : memref<!tpu.dma_semaphore, #tpu.memory_space<semaphore_mem>>
      %dma_start3A = arith.constant 0 : i32
      %dma_start3A_10 = tpu.memref_slice %arg3[%mul3A_2, %dma_start3A] : memref<1024x128xi32, #tpu.memory_space<hbm>> -> memref<32x128xi32, #tpu.memory_space<hbm>>
      %dma_start3A_11 = arith.constant 0 : i32
      %dma_start3A_12 = tpu.memref_slice %arg3[%mul3A_2, %dma_start3A_11] : memref<1024x128xi32, #tpu.memory_space<hbm>> -> memref<32x128xi32, #tpu.memory_space<hbm>>
      tpu.enqueue_dma source(%dma_start3A_12 : memref<32x128xi32, #tpu.memory_space<hbm>>) target(%arg5 : memref<32x128xi32, #tpu.memory_space<vmem>>) target_semaphore(%run_scoped3A : memref<!tpu.dma_semaphore, #tpu.memory_space<semaphore_mem>>)
      %dma_wait3A = arith.constant 0 : i32
      %dma_wait3A_13 = tpu.memref_slice %arg3[%mul3A_2, %dma_wait3A] : memref<1024x128xi32, #tpu.memory_space<hbm>> -> memref<32x128xi32, #tpu.memory_space<hbm>>
      %dma_wait3A_14 = arith.constant 0 : i32
      %dma_wait3A_15 = tpu.memref_slice %arg3[%mul3A_2, %dma_wait3A_14] : memref<1024x128xi32, #tpu.memory_space<hbm>> -> memref<32x128xi32, #tpu.memory_space<hbm>>
      tpu.wait_dma2 semaphore(%run_scoped3A : memref<!tpu.dma_semaphore, #tpu.memory_space<semaphore_mem>>) src(%dma_wait3A_15 : memref<32x128xi32, #tpu.memory_space<hbm>>) dst(%arg5 : memref<32x128xi32, #tpu.memory_space<vmem>>)
      tpu.yield
    }) : () -> ()
    %mul3A_3 = arith.constant 4096 : i32
    %mul3A_4 = arith.muli %add3A, %mul3A_3 : i32
    %scan3A = arith.constant 0 : i32
    %scan3A_5 = arith.constant 0 : i32
    %scan3A_6 = arith.constant 32 : i32
    %scan3A_7 = arith.addi %scan3A_5, %scan3A_6 : i32
    %scan3A_8 = arith.constant 1 : i32
    scf.for %scan3A_10 = %scan3A_5 to %scan3A_7 step %scan3A_8  : i32 {
      %dma_start3A = arith.constant 0 : i32
      %dma_start3A_11 = tpu.memref_slice %arg5[%scan3A_10, %dma_start3A] : memref<32x128xi32, #tpu.memory_space<vmem>> -> memref<1x128xi32, #tpu.memory_space<vmem>>
      %dma_start3A_12 = tpu.memref_squeeze %dma_start3A_11 : memref<1x128xi32, #tpu.memory_space<vmem>> -> memref<128xi32, #tpu.memory_space<vmem>>
      %dma_start3A_13 = arith.constant 0 : i32
      %dma_start3A_14 = arith.constant 0 : i32
      %dma_start3A_15 = tpu.memref_slice %arg2[%dma_start3A_13, %dma_start3A_14] : memref<528384x128xf32, #tpu.memory_space<hbm>> -> memref<528384x128xf32, #tpu.memory_space<hbm>>
      tpu.enqueue_indirect_dma source(%dma_start3A_15 : memref<528384x128xf32, #tpu.memory_space<hbm>>) target(%arg6 : memref<128x128xf32, #tpu.memory_space<vmem>>) offsets(%dma_start3A_12 : memref<128xi32, #tpu.memory_space<vmem>>) semaphore(%arg7 : memref<!tpu.dma_semaphore, #tpu.memory_space<semaphore_mem>>)
      %dma_wait3A = arith.constant 0 : i32
      %dma_wait3A_16 = tpu.memref_slice %arg5[%scan3A_10, %dma_wait3A] : memref<32x128xi32, #tpu.memory_space<vmem>> -> memref<1x128xi32, #tpu.memory_space<vmem>>
      %dma_wait3A_17 = tpu.memref_squeeze %dma_wait3A_16 : memref<1x128xi32, #tpu.memory_space<vmem>> -> memref<128xi32, #tpu.memory_space<vmem>>
      %dma_wait3A_18 = arith.constant 0 : i32
      %dma_wait3A_19 = arith.constant 0 : i32
      %dma_wait3A_20 = tpu.memref_slice %arg2[%dma_wait3A_18, %dma_wait3A_19] : memref<528384x128xf32, #tpu.memory_space<hbm>> -> memref<528384x128xf32, #tpu.memory_space<hbm>>
      tpu.wait_indirect_dma semaphore(%arg7 : memref<!tpu.dma_semaphore, #tpu.memory_space<semaphore_mem>>) src(%dma_wait3A_20 : memref<528384x128xf32, #tpu.memory_space<hbm>>) dst(%arg6 : memref<128x128xf32, #tpu.memory_space<vmem>>)
      %mul3A_21 = arith.constant 128 : i32
      %mul3A_22 = arith.muli %scan3A_10, %mul3A_21 : i32
      %add3A_23 = arith.addi %mul3A_4, %mul3A_22 : i32
      "tpu.region"() ({
        %run_scoped3A = tpu.sem_alloc : memref<!tpu.dma_semaphore, #tpu.memory_space<semaphore_mem>>
        %dma_start3A_24 = arith.constant 0 : i32
        %dma_start3A_25 = tpu.memref_slice %arg4[%add3A_23, %dma_start3A_24] : memref<131072x128xf32, #tpu.memory_space<hbm>> -> memref<128x128xf32, #tpu.memory_space<hbm>>
        %dma_start3A_26 = arith.constant 0 : i32
        %dma_start3A_27 = tpu.memref_slice %arg4[%add3A_23, %dma_start3A_26] : memref<131072x128xf32, #tpu.memory_space<hbm>> -> memref<128x128xf32, #tpu.memory_space<hbm>>
        tpu.enqueue_dma source(%arg6 : memref<128x128xf32, #tpu.memory_space<vmem>>) target(%dma_start3A_27 : memref<128x128xf32, #tpu.memory_space<hbm>>) target_semaphore(%run_scoped3A : memref<!tpu.dma_semaphore, #tpu.memory_space<semaphore_mem>>)
        %dma_wait3A_28 = arith.constant 0 : i32
        %dma_wait3A_29 = tpu.memref_slice %arg4[%add3A_23, %dma_wait3A_28] : memref<131072x128xf32, #tpu.memory_space<hbm>> -> memref<128x128xf32, #tpu.memory_space<hbm>>
        %dma_wait3A_30 = arith.constant 0 : i32
        %dma_wait3A_31 = tpu.memref_slice %arg4[%add3A_23, %dma_wait3A_30] : memref<131072x128xf32, #tpu.memory_space<hbm>> -> memref<128x128xf32, #tpu.memory_space<hbm>>
        tpu.wait_dma2 semaphore(%run_scoped3A : memref<!tpu.dma_semaphore, #tpu.memory_space<semaphore_mem>>) src(%arg6 : memref<128x128xf32, #tpu.memory_space<vmem>>) dst(%dma_wait3A_31 : memref<128x128xf32, #tpu.memory_space<hbm>>)
        tpu.yield
      }) : () -> ()
    }
    %scan3A_9 = arith.constant 32 : i32
    return
  }
}

#map = affine_map<(d0, d1) -> (0, 0)>
module attributes {stable_mosaic.version = 14 : i64} {
  func.func @gather_kernel(%arg0: i32, %arg1: i32, %arg2: memref<528384x128xf32, #tpu.memory_space<hbm>>, %arg3: memref<1024x128xi32, #tpu.memory_space<hbm>>, %arg4: memref<131072x128xf32, #tpu.memory_space<hbm>>, %arg5: memref<32x128xi32, #tpu.memory_space<vmem>>, %arg6: memref<128x128xf32, #tpu.memory_space<vmem>>, %arg7: memref<!tpu.dma_semaphore, #tpu.memory_space<semaphore_mem>>) attributes {dimension_semantics = [#tpu.dimension_semantics<core_parallel>, #tpu.dimension_semantics<subcore_parallel>], iteration_bounds = array<i64: 2, 16>, scalar_prefetch = 0 : i64, scratch_operands = 3 : i64, tpu.core_type = #tpu.core_type<sc_vector_subcore>, window_params = [{transform_indices = #map}, {transform_indices = #map}, {transform_indices = #map}]} {
    %mul3A = arith.constant 2 : i32
    %mul3A_0 = arith.muli %arg1, %mul3A : i32
    %add3A = arith.addi %mul3A_0, %arg0 : i32
    %mul3A_1 = arith.constant 32 : i32
    %mul3A_2 = arith.muli %add3A, %mul3A_1 : i32
    "tpu.region"() ({
      %run_scoped3A = tpu.sem_alloc : memref<!tpu.dma_semaphore, #tpu.memory_space<semaphore_mem>>
      %dma_start3A = arith.constant 0 : i32
      %dma_start3A_10 = tpu.memref_slice %arg3[%mul3A_2, %dma_start3A] : memref<1024x128xi32, #tpu.memory_space<hbm>> -> memref<32x128xi32, #tpu.memory_space<hbm>>
      %dma_start3A_11 = arith.constant 0 : i32
      %dma_start3A_12 = tpu.memref_slice %arg3[%mul3A_2, %dma_start3A_11] : memref<1024x128xi32, #tpu.memory_space<hbm>> -> memref<32x128xi32, #tpu.memory_space<hbm>>
      tpu.enqueue_dma source(%dma_start3A_12 : memref<32x128xi32, #tpu.memory_space<hbm>>) target(%arg5 : memref<32x128xi32, #tpu.memory_space<vmem>>) target_semaphore(%run_scoped3A : memref<!tpu.dma_semaphore, #tpu.memory_space<semaphore_mem>>)
      %dma_wait3A = arith.constant 0 : i32
      %dma_wait3A_13 = tpu.memref_slice %arg3[%mul3A_2, %dma_wait3A] : memref<1024x128xi32, #tpu.memory_space<hbm>> -> memref<32x128xi32, #tpu.memory_space<hbm>>
      %dma_wait3A_14 = arith.constant 0 : i32
      %dma_wait3A_15 = tpu.memref_slice %arg3[%mul3A_2, %dma_wait3A_14] : memref<1024x128xi32, #tpu.memory_space<hbm>> -> memref<32x128xi32, #tpu.memory_space<hbm>>
      tpu.wait_dma2 semaphore(%run_scoped3A : memref<!tpu.dma_semaphore, #tpu.memory_space<semaphore_mem>>) src(%dma_wait3A_15 : memref<32x128xi32, #tpu.memory_space<hbm>>) dst(%arg5 : memref<32x128xi32, #tpu.memory_space<vmem>>)
      tpu.yield
    }) : () -> ()
    %mul3A_3 = arith.constant 4096 : i32
    %mul3A_4 = arith.muli %add3A, %mul3A_3 : i32
    %scan3A = arith.constant 0 : i32
    %scan3A_5 = arith.constant 0 : i32
    %scan3A_6 = arith.constant 32 : i32
    %scan3A_7 = arith.addi %scan3A_5, %scan3A_6 : i32
    %scan3A_8 = arith.constant 1 : i32
    scf.for %scan3A_10 = %scan3A_5 to %scan3A_7 step %scan3A_8  : i32 {
      %dma_start3A = arith.constant 0 : i32
      %dma_start3A_11 = tpu.memref_slice %arg5[%scan3A_10, %dma_start3A] : memref<32x128xi32, #tpu.memory_space<vmem>> -> memref<1x128xi32, #tpu.memory_space<vmem>>
      %dma_start3A_12 = tpu.memref_squeeze %dma_start3A_11 : memref<1x128xi32, #tpu.memory_space<vmem>> -> memref<128xi32, #tpu.memory_space<vmem>>
      %dma_start3A_13 = arith.constant 0 : i32
      %dma_start3A_14 = arith.constant 0 : i32
      %dma_start3A_15 = tpu.memref_slice %arg2[%dma_start3A_13, %dma_start3A_14] : memref<528384x128xf32, #tpu.memory_space<hbm>> -> memref<528384x128xf32, #tpu.memory_space<hbm>>
      tpu.enqueue_indirect_dma source(%dma_start3A_15 : memref<528384x128xf32, #tpu.memory_space<hbm>>) target(%arg6 : memref<128x128xf32, #tpu.memory_space<vmem>>) offsets(%dma_start3A_12 : memref<128xi32, #tpu.memory_space<vmem>>) semaphore(%arg7 : memref<!tpu.dma_semaphore, #tpu.memory_space<semaphore_mem>>)
      %dma_wait3A = arith.constant 0 : i32
      %dma_wait3A_16 = tpu.memref_slice %arg5[%scan3A_10, %dma_wait3A] : memref<32x128xi32, #tpu.memory_space<vmem>> -> memref<1x128xi32, #tpu.memory_space<vmem>>
      %dma_wait3A_17 = tpu.memref_squeeze %dma_wait3A_16 : memref<1x128xi32, #tpu.memory_space<vmem>> -> memref<128xi32, #tpu.memory_space<vmem>>
      %dma_wait3A_18 = arith.constant 0 : i32
      %dma_wait3A_19 = arith.constant 0 : i32
      %dma_wait3A_20 = tpu.memref_slice %arg2[%dma_wait3A_18, %dma_wait3A_19] : memref<528384x128xf32, #tpu.memory_space<hbm>> -> memref<528384x128xf32, #tpu.memory_space<hbm>>
      tpu.wait_indirect_dma semaphore(%arg7 : memref<!tpu.dma_semaphore, #tpu.memory_space<semaphore_mem>>) src(%dma_wait3A_20 : memref<528384x128xf32, #tpu.memory_space<hbm>>) dst(%arg6 : memref<128x128xf32, #tpu.memory_space<vmem>>)
      %mul3A_21 = arith.constant 128 : i32
      %mul3A_22 = arith.muli %scan3A_10, %mul3A_21 : i32
      %add3A_23 = arith.addi %mul3A_4, %mul3A_22 : i32
      "tpu.region"() ({
        %run_scoped3A = tpu.sem_alloc : memref<!tpu.dma_semaphore, #tpu.memory_space<semaphore_mem>>
        %dma_start3A_24 = arith.constant 0 : i32
        %dma_start3A_25 = tpu.memref_slice %arg4[%add3A_23, %dma_start3A_24] : memref<131072x128xf32, #tpu.memory_space<hbm>> -> memref<128x128xf32, #tpu.memory_space<hbm>>
        %dma_start3A_26 = arith.constant 0 : i32
        %dma_start3A_27 = tpu.memref_slice %arg4[%add3A_23, %dma_start3A_26] : memref<131072x128xf32, #tpu.memory_space<hbm>> -> memref<128x128xf32, #tpu.memory_space<hbm>>
        tpu.enqueue_dma source(%arg6 : memref<128x128xf32, #tpu.memory_space<vmem>>) target(%dma_start3A_27 : memref<128x128xf32, #tpu.memory_space<hbm>>) target_semaphore(%run_scoped3A : memref<!tpu.dma_semaphore, #tpu.memory_space<semaphore_mem>>)
        %dma_wait3A_28 = arith.constant 0 : i32
        %dma_wait3A_29 = tpu.memref_slice %arg4[%add3A_23, %dma_wait3A_28] : memref<131072x128xf32, #tpu.memory_space<hbm>> -> memref<128x128xf32, #tpu.memory_space<hbm>>
        %dma_wait3A_30 = arith.constant 0 : i32
        %dma_wait3A_31 = tpu.memref_slice %arg4[%add3A_23, %dma_wait3A_30] : memref<131072x128xf32, #tpu.memory_space<hbm>> -> memref<128x128xf32, #tpu.memory_space<hbm>>
        tpu.wait_dma2 semaphore(%run_scoped3A : memref<!tpu.dma_semaphore, #tpu.memory_space<semaphore_mem>>) src(%arg6 : memref<128x128xf32, #tpu.memory_space<vmem>>) dst(%dma_wait3A_31 : memref<128x128xf32, #tpu.memory_space<hbm>>)
        tpu.yield
      }) : () -> ()
    }
    %scan3A_9 = arith.constant 32 : i32
    return
  }
}

module attributes {stable_mosaic.version = 14 : i64} {
  func.func @_tbl_body(%arg0: i32, %arg1: memref<1x3x8x512xf32, #tpu.memory_space<vmem>>, %arg2: memref<1x32x8x512xf32, #tpu.memory_space<vmem>>, %arg3: memref<35x128xf32, #tpu.memory_space<vmem>>, %arg4: memref<4096x128xf32, #tpu.memory_space<vmem>>) attributes {dimension_semantics = [#tpu.dimension_semantics<arbitrary>], iteration_bounds = array<i64: 129>, scalar_prefetch = 0 : i64, scratch_operands = 0 : i64, tpu.core_type = #tpu.core_type<tc>, window_params = [{transform_indices = @transform_0, window_bounds = array<i64: 1, 3, 8, 512>}, {transform_indices = @transform_1, window_bounds = array<i64: 1, 32, 8, 512>}, {pipeline_mode = #tpu.pipeline_mode<synchronous>, transform_indices = @transform_2, window_bounds = array<i64: 35, 128>}, {transform_indices = @transform_3, window_bounds = array<i64: 4096, 128>}]} {
    %lt3A = arith.constant 128 : i32
    %lt3A_0 = arith.cmpi slt, %arg0, %lt3A : i32
    %convert_element_type3A = arith.extui %lt3A_0 : i1 to i32
    %cond3A = arith.constant 0 : i32
    %cond3A_1 = arith.cmpi ne, %convert_element_type3A, %cond3A : i32
    scf.if %cond3A_1 {
      %get3A = arith.constant 0 : index
      %get3A_6 = arith.constant 0 : index
      %get3A_7 = arith.constant 0 : index
      %get3A_8 = arith.constant 0 : index
      %get3A_9 = vector.load %arg1[%get3A, %get3A_6, %get3A_7, %get3A_8] : memref<1x3x8x512xf32, #tpu.memory_space<vmem>>, vector<1x3x8x512xf32>
      %get3A_10 = vector.shape_cast %get3A_9 : vector<1x3x8x512xf32> to vector<3x8x512xf32>
      %get3A_11 = arith.constant 0 : index
      %get3A_12 = arith.constant 0 : index
      %get3A_13 = arith.constant 0 : index
      %get3A_14 = arith.constant 0 : index
      %get3A_15 = vector.load %arg2[%get3A_11, %get3A_12, %get3A_13, %get3A_14] : memref<1x32x8x512xf32, #tpu.memory_space<vmem>>, vector<1x32x8x512xf32>
      %get3A_16 = vector.shape_cast %get3A_15 : vector<1x32x8x512xf32> to vector<32x8x512xf32>
      %concatenate3A = tpu.concatenate %get3A_10, %get3A_16 in 0 : vector<3x8x512xf32>, vector<32x8x512xf32> -> vector<35x8x512xf32>
      %convert_element_type3A_17 = arith.truncf %concatenate3A : vector<35x8x512xf32> to vector<35x8x512xbf16>
      %convert_element_type3A_18 = arith.extf %convert_element_type3A_17 : vector<35x8x512xbf16> to vector<35x8x512xf32>
      %sub3A = arith.subf %concatenate3A, %convert_element_type3A_18 : vector<35x8x512xf32>
      %get3A_19 = arith.constant 0 : index
      %get3A_20 = arith.constant 0 : index
      %get3A_21 = vector.load %arg3[%get3A_19, %get3A_20] : memref<35x128xf32, #tpu.memory_space<vmem>>, vector<35x128xf32>
      %dot_general3A = arith.constant dense<0.000000e+00> : vector<8x512x128xf32>
      %dot_general3A_22 = tpu.matmul %convert_element_type3A_18, %get3A_21, %dot_general3A {dimension_numbers = #tpu.dot_dimension_numbers<[0], [0], [1, 2], [1], [0, 1, 0, 2, 1, 1], [], []>, transpose_lhs_hint = false} : vector<35x8x512xf32>, vector<35x128xf32>, vector<8x512x128xf32> -> vector<8x512x128xf32>
      %get3A_23 = arith.constant 0 : index
      %get3A_24 = arith.constant 0 : index
      %get3A_25 = vector.load %arg3[%get3A_23, %get3A_24] : memref<35x128xf32, #tpu.memory_space<vmem>>, vector<35x128xf32>
      %dot_general3A_26 = arith.constant dense<0.000000e+00> : vector<8x512x128xf32>
      %dot_general3A_27 = tpu.matmul %sub3A, %get3A_25, %dot_general3A_26 {dimension_numbers = #tpu.dot_dimension_numbers<[0], [0], [1, 2], [1], [0, 1, 0, 2, 1, 1], [], []>, transpose_lhs_hint = false} : vector<35x8x512xf32>, vector<35x128xf32>, vector<8x512x128xf32> -> vector<8x512x128xf32>
      %add3A = arith.addf %dot_general3A_22, %dot_general3A_27 : vector<8x512x128xf32>
      %reshape3A = vector.shape_cast %add3A : vector<8x512x128xf32> to vector<4096x128xf32>
      %swap3A = arith.constant 0 : index
      %swap3A_28 = arith.constant 0 : index
      %swap3A_29 = vector.load %arg4[%swap3A, %swap3A_28] : memref<4096x128xf32, #tpu.memory_space<vmem>>, vector<4096x128xf32>
      tpu.vector_store %arg4[%swap3A, %swap3A_28], %reshape3A {strides = array<i32>} : memref<4096x128xf32, #tpu.memory_space<vmem>>, vector<4096x128xf32>,
    } else {
    }
    %ge3A = arith.constant 128 : i32
    %ge3A_2 = arith.cmpi sge, %arg0, %ge3A : i32
    %convert_element_type3A_3 = arith.extui %ge3A_2 : i1 to i32
    %cond3A_4 = arith.constant 0 : i32
    %cond3A_5 = arith.cmpi ne, %convert_element_type3A_3, %cond3A_4 : i32
    scf.if %cond3A_5 {
      %broadcast_in_dim3A = arith.constant 0.000000e+00 : f32
      %broadcast_in_dim3A_6 = vector.broadcast %broadcast_in_dim3A : f32 to vector<4096x128xf32>
      %swap3A = arith.constant 0 : index
      %swap3A_7 = arith.constant 0 : index
      %swap3A_8 = vector.load %arg4[%swap3A, %swap3A_7] : memref<4096x128xf32, #tpu.memory_space<vmem>>, vector<4096x128xf32>
      tpu.vector_store %arg4[%swap3A, %swap3A_7], %broadcast_in_dim3A_6 {strides = array<i32>} : memref<4096x128xf32, #tpu.memory_space<vmem>>, vector<4096x128xf32>,
    } else {
    }
    return
  }
  func.func @transform_0(%arg0: i32) -> (i32, i32, i32, i32) {
    %min3A = arith.constant 127 : i32
    %min3A_0 = arith.minsi %arg0, %min3A : i32
    %jit3A = arith.constant 64 : i32
    %div3A = arith.divsi %min3A_0, %jit3A : i32
    %sign3A = arith.constant 0 : i32
    %sign3A_1 = arith.cmpi sgt, %min3A_0, %sign3A : i32
    %sign3A_2 = arith.extui %sign3A_1 : i1 to i32
    %sign3A_3 = arith.constant 0 : i32
    %sign3A_4 = arith.cmpi slt, %min3A_0, %sign3A_3 : i32
    %sign3A_5 = arith.extui %sign3A_4 : i1 to i32
    %sign3A_6 = arith.subi %sign3A_2, %sign3A_5 : i32
    %sign3A_7 = arith.constant 0 : i32
    %sign3A_8 = arith.cmpi sgt, %jit3A, %sign3A_7 : i32
    %sign3A_9 = arith.extui %sign3A_8 : i1 to i32
    %sign3A_10 = arith.constant 0 : i32
    %sign3A_11 = arith.cmpi slt, %jit3A, %sign3A_10 : i32
    %sign3A_12 = arith.extui %sign3A_11 : i1 to i32
    %sign3A_13 = arith.subi %sign3A_9, %sign3A_12 : i32
    %ne3A = arith.cmpi ne, %sign3A_6, %sign3A_13 : i32
    %rem3A = arith.remsi %min3A_0, %jit3A : i32
    %ne3A_14 = arith.constant 0 : i32
    %ne3A_15 = arith.cmpi ne, %rem3A, %ne3A_14 : i32
    %and3A = arith.andi %ne3A, %ne3A_15 : i1
    %sub3A = arith.constant 1 : i32
    %sub3A_16 = arith.subi %div3A, %sub3A : i32
    %select_n3A = arith.select %and3A, %sub3A_16, %div3A : i32
    %min3A_17 = arith.constant 127 : i32
    %min3A_18 = arith.minsi %arg0, %min3A_17 : i32
    %jit3A_19 = arith.constant 64 : i32
    %eq3A = arith.constant 0 : i32
    %eq3A_20 = arith.cmpi eq, %jit3A_19, %eq3A : i32
    %jit3A_21 = arith.constant 1 : i32
    %select_n3A_22 = arith.select %eq3A_20, %jit3A_21, %jit3A_19 : i32
    %rem3A_23 = arith.remsi %min3A_18, %select_n3A_22 : i32
    %ne3A_24 = arith.constant 0 : i32
    %ne3A_25 = arith.cmpi ne, %rem3A_23, %ne3A_24 : i32
    %lt3A = arith.constant 0 : i32
    %lt3A_26 = arith.cmpi slt, %rem3A_23, %lt3A : i32
    %lt3A_27 = arith.constant 0 : i32
    %lt3A_28 = arith.cmpi slt, %select_n3A_22, %lt3A_27 : i32
    %ne3A_29 = arith.xori %lt3A_26, %lt3A_28 : i1
    %and3A_30 = arith.andi %ne3A_29, %ne3A_25 : i1
    %add3A = arith.addi %rem3A_23, %select_n3A_22 : i32
    %select_n3A_31 = arith.select %and3A_30, %add3A, %rem3A_23 : i32
    %c0_i32 = arith.constant 0 : i32
    %c0_i32_32 = arith.constant 0 : i32
    %c0_i32_33 = arith.constant 0 : i32
    return %select_n3A, %c0_i32, %select_n3A_31, %c0_i32_32 : i32, i32, i32, i32
  }
  func.func @transform_1(%arg0: i32) -> (i32, i32, i32, i32) {
    %min3A = arith.constant 127 : i32
    %min3A_0 = arith.minsi %arg0, %min3A : i32
    %jit3A = arith.constant 64 : i32
    %div3A = arith.divsi %min3A_0, %jit3A : i32
    %sign3A = arith.constant 0 : i32
    %sign3A_1 = arith.cmpi sgt, %min3A_0, %sign3A : i32
    %sign3A_2 = arith.extui %sign3A_1 : i1 to i32
    %sign3A_3 = arith.constant 0 : i32
    %sign3A_4 = arith.cmpi slt, %min3A_0, %sign3A_3 : i32
    %sign3A_5 = arith.extui %sign3A_4 : i1 to i32
    %sign3A_6 = arith.subi %sign3A_2, %sign3A_5 : i32
    %sign3A_7 = arith.constant 0 : i32
    %sign3A_8 = arith.cmpi sgt, %jit3A, %sign3A_7 : i32
    %sign3A_9 = arith.extui %sign3A_8 : i1 to i32
    %sign3A_10 = arith.constant 0 : i32
    %sign3A_11 = arith.cmpi slt, %jit3A, %sign3A_10 : i32
    %sign3A_12 = arith.extui %sign3A_11 : i1 to i32
    %sign3A_13 = arith.subi %sign3A_9, %sign3A_12 : i32
    %ne3A = arith.cmpi ne, %sign3A_6, %sign3A_13 : i32
    %rem3A = arith.remsi %min3A_0, %jit3A : i32
    %ne3A_14 = arith.constant 0 : i32
    %ne3A_15 = arith.cmpi ne, %rem3A, %ne3A_14 : i32
    %and3A = arith.andi %ne3A, %ne3A_15 : i1
    %sub3A = arith.constant 1 : i32
    %sub3A_16 = arith.subi %div3A, %sub3A : i32
    %select_n3A = arith.select %and3A, %sub3A_16, %div3A : i32
    %min3A_17 = arith.constant 127 : i32
    %min3A_18 = arith.minsi %arg0, %min3A_17 : i32
    %jit3A_19 = arith.constant 64 : i32
    %eq3A = arith.constant 0 : i32
    %eq3A_20 = arith.cmpi eq, %jit3A_19, %eq3A : i32
    %jit3A_21 = arith.constant 1 : i32
    %select_n3A_22 = arith.select %eq3A_20, %jit3A_21, %jit3A_19 : i32
    %rem3A_23 = arith.remsi %min3A_18, %select_n3A_22 : i32
    %ne3A_24 = arith.constant 0 : i32
    %ne3A_25 = arith.cmpi ne, %rem3A_23, %ne3A_24 : i32
    %lt3A = arith.constant 0 : i32
    %lt3A_26 = arith.cmpi slt, %rem3A_23, %lt3A : i32
    %lt3A_27 = arith.constant 0 : i32
    %lt3A_28 = arith.cmpi slt, %select_n3A_22, %lt3A_27 : i32
    %ne3A_29 = arith.xori %lt3A_26, %lt3A_28 : i1
    %and3A_30 = arith.andi %ne3A_29, %ne3A_25 : i1
    %add3A = arith.addi %rem3A_23, %select_n3A_22 : i32
    %select_n3A_31 = arith.select %and3A_30, %add3A, %rem3A_23 : i32
    %c0_i32 = arith.constant 0 : i32
    %c0_i32_32 = arith.constant 0 : i32
    %c0_i32_33 = arith.constant 0 : i32
    return %select_n3A, %c0_i32, %select_n3A_31, %c0_i32_32 : i32, i32, i32, i32
  }
  func.func @transform_2(%arg0: i32) -> (i32, i32) {
    %c0_i32 = arith.constant 0 : i32
    %c0_i32_0 = arith.constant 0 : i32
    %c0_i32_1 = arith.constant 0 : i32
    return %c0_i32, %c0_i32_0 : i32, i32
  }
  func.func @transform_3(%arg0: i32) -> (i32, i32) {
    %c0_i32 = arith.constant 0 : i32
    %c0_i32_0 = arith.constant 0 : i32
    return %arg0, %c0_i32 : i32, i32
  }
}

module attributes {stable_mosaic.version = 14 : i64} {
  func.func @_tc_body(%arg0: i32, %arg1: memref<8192x128xf32, #tpu.memory_space<vmem>>, %arg2: memref<1x3x512xf32, #tpu.memory_space<vmem>>, %arg3: memref<3x8xf32, #tpu.memory_space<vmem>>, %arg4: memref<1x8xf32, #tpu.memory_space<vmem>>, %arg5: memref<8x16xf32, #tpu.memory_space<vmem>>, %arg6: memref<1x16xf32, #tpu.memory_space<vmem>>, %arg7: memref<768x32xf32, #tpu.memory_space<vmem>>, %arg8: memref<1x32xf32, #tpu.memory_space<vmem>>, %arg9: memref<32x512xf32, #tpu.memory_space<vmem>>) attributes {dimension_semantics = [#tpu.dimension_semantics<arbitrary>], iteration_bounds = array<i64: 16>, scalar_prefetch = 0 : i64, scratch_operands = 0 : i64, tpu.core_type = #tpu.core_type<tc>, window_params = [{transform_indices = @transform_0, window_bounds = array<i64: 8192, 128>}, {transform_indices = @transform_1, window_bounds = array<i64: 1, 3, 512>}, {pipeline_mode = #tpu.pipeline_mode<synchronous>, transform_indices = @transform_2, window_bounds = array<i64: 3, 8>}, {pipeline_mode = #tpu.pipeline_mode<synchronous>, transform_indices = @transform_3, window_bounds = array<i64: 1, 8>}, {pipeline_mode = #tpu.pipeline_mode<synchronous>, transform_indices = @transform_4, window_bounds = array<i64: 8, 16>}, {pipeline_mode = #tpu.pipeline_mode<synchronous>, transform_indices = @transform_5, window_bounds = array<i64: 1, 16>}, {pipeline_mode = #tpu.pipeline_mode<synchronous>, transform_indices = @transform_6, window_bounds = array<i64: 768, 32>}, {pipeline_mode = #tpu.pipeline_mode<synchronous>, transform_indices = @transform_7, window_bounds = array<i64: 1, 32>}, {transform_indices = @transform_8, window_bounds = array<i64: 32, 512>}]} {
    %get3A = arith.constant 0 : index
    %get3A_0 = arith.constant 0 : index
    %get3A_1 = vector.load %arg1[%get3A, %get3A_0] : memref<8192x128xf32, #tpu.memory_space<vmem>>, vector<8192x48xf32>
    %reshape3A = vector.shape_cast %get3A_1 : vector<8192x48xf32> to vector<512x16x48xf32>
    %get3A_2 = arith.constant 0 : index
    %get3A_3 = arith.constant 0 : index
    %get3A_4 = arith.constant 0 : index
    %get3A_5 = vector.load %arg2[%get3A_2, %get3A_3, %get3A_4] : memref<1x3x512xf32, #tpu.memory_space<vmem>>, vector<1x3x512xf32>
    %get3A_6 = vector.shape_cast %get3A_5 : vector<1x3x512xf32> to vector<3x512xf32>
    %transpose3A = tpu.transpose %get3A_6, [1, 0] : vector<3x512xf32> -> vector<512x3xf32>
    %slice3A = vector.extract_strided_slice %reshape3A {offsets = [0, 0, 0], sizes = [512, 16, 3], strides = [1, 1, 1]} : vector<512x16x48xf32> to vector<512x16x3xf32>
    %broadcast_in_dim3A = vector.shape_cast %transpose3A : vector<512x3xf32> to vector<512x1x3xf32>
    %sub3A = vector.broadcast %broadcast_in_dim3A : vector<512x1x3xf32> to vector<512x16x3xf32>
    %sub3A_7 = arith.subf %slice3A, %sub3A : vector<512x16x3xf32>
    %reshape3A_8 = vector.shape_cast %sub3A_7 : vector<512x16x3xf32> to vector<8192x3xf32>
    %get3A_9 = arith.constant 0 : index
    %get3A_10 = arith.constant 0 : index
    %get3A_11 = vector.load %arg3[%get3A_9, %get3A_10] : memref<3x8xf32, #tpu.memory_space<vmem>>, vector<3x8xf32>
    %dot_general3A = arith.constant dense<0.000000e+00> : vector<8192x8xf32>
    %dot_general3A_12 = tpu.matmul %reshape3A_8, %get3A_11, %dot_general3A {dimension_numbers = #tpu.dot_dimension_numbers<[1], [0], [0], [1], [0, 0, 1, 1], [], []>, transpose_lhs_hint = false} : vector<8192x3xf32>, vector<3x8xf32>, vector<8192x8xf32> -> vector<8192x8xf32>
    %get3A_13 = arith.constant 0 : index
    %get3A_14 = arith.constant 0 : index
    %get3A_15 = vector.load %arg4[%get3A_13, %get3A_14] : memref<1x8xf32, #tpu.memory_space<vmem>>, vector<1x8xf32>
    %add3A = vector.broadcast %get3A_15 : vector<1x8xf32> to vector<8192x8xf32>
    %add3A_16 = arith.addf %dot_general3A_12, %add3A : vector<8192x8xf32>
    %ge3A = arith.constant 0.000000e+00 : f32
    %ge3A_17 = vector.broadcast %ge3A : f32 to vector<8192x8xf32>
    %ge3A_18 = arith.cmpf oge, %add3A_16, %ge3A_17 : vector<8192x8xf32>
    %mul3A = arith.constant 1.000000e-01 : f32
    %mul3A_19 = vector.broadcast %mul3A : f32 to vector<8192x8xf32>
    %mul3A_20 = arith.mulf %mul3A_19, %add3A_16 : vector<8192x8xf32>
    %select_n3A = arith.select %ge3A_18, %add3A_16, %mul3A_20 : vector<8192x8xi1>, vector<8192x8xf32>
    %get3A_21 = arith.constant 0 : index
    %get3A_22 = arith.constant 0 : index
    %get3A_23 = vector.load %arg5[%get3A_21, %get3A_22] : memref<8x16xf32, #tpu.memory_space<vmem>>, vector<8x16xf32>
    %dot_general3A_24 = arith.constant dense<0.000000e+00> : vector<8192x16xf32>
    %dot_general3A_25 = tpu.matmul %select_n3A, %get3A_23, %dot_general3A_24 {dimension_numbers = #tpu.dot_dimension_numbers<[1], [0], [0], [1], [0, 0, 1, 1], [], []>, transpose_lhs_hint = false} : vector<8192x8xf32>, vector<8x16xf32>, vector<8192x16xf32> -> vector<8192x16xf32>
    %get3A_26 = arith.constant 0 : index
    %get3A_27 = arith.constant 0 : index
    %get3A_28 = vector.load %arg6[%get3A_26, %get3A_27] : memref<1x16xf32, #tpu.memory_space<vmem>>, vector<1x16xf32>
    %add3A_29 = vector.broadcast %get3A_28 : vector<1x16xf32> to vector<8192x16xf32>
    %add3A_30 = arith.addf %dot_general3A_25, %add3A_29 : vector<8192x16xf32>
    %ge3A_31 = arith.constant 0.000000e+00 : f32
    %ge3A_32 = vector.broadcast %ge3A_31 : f32 to vector<8192x16xf32>
    %ge3A_33 = arith.cmpf oge, %add3A_30, %ge3A_32 : vector<8192x16xf32>
    %mul3A_34 = arith.constant 1.000000e-01 : f32
    %mul3A_35 = vector.broadcast %mul3A_34 : f32 to vector<8192x16xf32>
    %mul3A_36 = arith.mulf %mul3A_35, %add3A_30 : vector<8192x16xf32>
    %select_n3A_37 = arith.select %ge3A_33, %add3A_30, %mul3A_36 : vector<8192x16xi1>, vector<8192x16xf32>
    %reshape3A_38 = vector.shape_cast %select_n3A_37 : vector<8192x16xf32> to vector<512x16x16xf32>
    %dot_general3A_39 = arith.constant dense<0.000000e+00> : vector<512x16x48xf32>
    %dot_general3A_40 = tpu.matmul %reshape3A_38, %reshape3A, %dot_general3A_39 {dimension_numbers = #tpu.dot_dimension_numbers<[1], [1], [2], [2], [0, 0, 0, 2, 1, 2], [0], [0]>, transpose_lhs_hint = false} : vector<512x16x16xf32>, vector<512x16x48xf32>, vector<512x16x48xf32> -> vector<512x16x48xf32>
    %reshape3A_41 = vector.shape_cast %dot_general3A_40 : vector<512x16x48xf32> to vector<512x768xf32>
    %get3A_42 = arith.constant 0 : index
    %get3A_43 = arith.constant 0 : index
    %get3A_44 = vector.load %arg7[%get3A_42, %get3A_43] : memref<768x32xf32, #tpu.memory_space<vmem>>, vector<768x32xf32>
    %dot_general3A_45 = arith.constant dense<0.000000e+00> : vector<512x32xf32>
    %dot_general3A_46 = tpu.matmul %reshape3A_41, %get3A_44, %dot_general3A_45 {dimension_numbers = #tpu.dot_dimension_numbers<[1], [0], [0], [1], [0, 0, 1, 1], [], []>, transpose_lhs_hint = false} : vector<512x768xf32>, vector<768x32xf32>, vector<512x32xf32> -> vector<512x32xf32>
    %get3A_47 = arith.constant 0 : index
    %get3A_48 = arith.constant 0 : index
    %get3A_49 = vector.load %arg8[%get3A_47, %get3A_48] : memref<1x32xf32, #tpu.memory_space<vmem>>, vector<1x32xf32>
    %add3A_50 = vector.broadcast %get3A_49 : vector<1x32xf32> to vector<512x32xf32>
    %add3A_51 = arith.addf %dot_general3A_46, %add3A_50 : vector<512x32xf32>
    %ge3A_52 = arith.constant 0.000000e+00 : f32
    %ge3A_53 = vector.broadcast %ge3A_52 : f32 to vector<512x32xf32>
    %ge3A_54 = arith.cmpf oge, %add3A_51, %ge3A_53 : vector<512x32xf32>
    %mul3A_55 = arith.constant 1.000000e-01 : f32
    %mul3A_56 = vector.broadcast %mul3A_55 : f32 to vector<512x32xf32>
    %mul3A_57 = arith.mulf %mul3A_56, %add3A_51 : vector<512x32xf32>
    %select_n3A_58 = arith.select %ge3A_54, %add3A_51, %mul3A_57 : vector<512x32xi1>, vector<512x32xf32>
    %transpose3A_59 = tpu.transpose %select_n3A_58, [1, 0] : vector<512x32xf32> -> vector<32x512xf32>
    %swap3A = arith.constant 0 : index
    %swap3A_60 = arith.constant 0 : index
    %swap3A_61 = vector.load %arg9[%swap3A, %swap3A_60] : memref<32x512xf32, #tpu.memory_space<vmem>>, vector<32x512xf32>
    tpu.vector_store %arg9[%swap3A, %swap3A_60], %transpose3A_59 {strides = array<i32>} : memref<32x512xf32, #tpu.memory_space<vmem>>, vector<32x512xf32>,
    return
  }
  func.func @transform_0(%arg0: i32) -> (i32, i32) {
    %c0_i32 = arith.constant 0 : i32
    %c0_i32_0 = arith.constant 0 : i32
    return %arg0, %c0_i32 : i32, i32
  }
  func.func @transform_1(%arg0: i32) -> (i32, i32, i32) {
    %c0_i32 = arith.constant 0 : i32
    %c0_i32_0 = arith.constant 0 : i32
    %c0_i32_1 = arith.constant 0 : i32
    return %c0_i32, %c0_i32_0, %arg0 : i32, i32, i32
  }
  func.func @transform_2(%arg0: i32) -> (i32, i32) {
    %c0_i32 = arith.constant 0 : i32
    %c0_i32_0 = arith.constant 0 : i32
    %c0_i32_1 = arith.constant 0 : i32
    return %c0_i32, %c0_i32_0 : i32, i32
  }
  func.func @transform_3(%arg0: i32) -> (i32, i32) {
    %c0_i32 = arith.constant 0 : i32
    %c0_i32_0 = arith.constant 0 : i32
    %c0_i32_1 = arith.constant 0 : i32
    return %c0_i32, %c0_i32_0 : i32, i32
  }
  func.func @transform_4(%arg0: i32) -> (i32, i32) {
    %c0_i32 = arith.constant 0 : i32
    %c0_i32_0 = arith.constant 0 : i32
    %c0_i32_1 = arith.constant 0 : i32
    return %c0_i32, %c0_i32_0 : i32, i32
  }
  func.func @transform_5(%arg0: i32) -> (i32, i32) {
    %c0_i32 = arith.constant 0 : i32
    %c0_i32_0 = arith.constant 0 : i32
    %c0_i32_1 = arith.constant 0 : i32
    return %c0_i32, %c0_i32_0 : i32, i32
  }
  func.func @transform_6(%arg0: i32) -> (i32, i32) {
    %c0_i32 = arith.constant 0 : i32
    %c0_i32_0 = arith.constant 0 : i32
    %c0_i32_1 = arith.constant 0 : i32
    return %c0_i32, %c0_i32_0 : i32, i32
  }
  func.func @transform_7(%arg0: i32) -> (i32, i32) {
    %c0_i32 = arith.constant 0 : i32
    %c0_i32_0 = arith.constant 0 : i32
    %c0_i32_1 = arith.constant 0 : i32
    return %c0_i32, %c0_i32_0 : i32, i32
  }
  func.func @transform_8(%arg0: i32) -> (i32, i32) {
    %c0_i32 = arith.constant 0 : i32
    %c0_i32_0 = arith.constant 0 : i32
    return %c0_i32, %arg0 : i32, i32
  }
}

</mosaic_0001>

<sc_bundles>
// kernel: kernel.11.cloned.1.call-start
scs
__scs_entry_jumppad:
0x0: {  	(pc) =	sbr.rel $0x88, $3  }
0x1: {  	(tag) =	ssettag $0x0;
	lr =	simm.s32 $0x1  }
0x2: {  	[smem:$0x3F96] =	sst lr;
	_ =	strace $0xD0000000  }
0x3: {  	_ = 	snop  }
0x4: {  	_ = 	snop  }
0x5: {  	_ = 	snop  }
0x6: {  	_ = 	snop  }
0x7: {  	_ = 	snop  }
__scs_overlays_trampoline_lowered:
0x8: {  	[smem:$0x3FA5] =	sst s0  }
0x9: {  	[smem:$0x3FA6] =	sst s1  }
0xa: {  	[smem:$0x3FA7] =	sst s2  }
0xb: {  	[smem:$0x3FA8] =	sst s3  }
0xc: {  	[smem:$0x3FA9] =	sst s4  }
0xd: {  	[smem:$0x3FAA] =	sst s5  }
0xe: {  	[smem:$0x3FAB] =	sst s6  }
0xf: {  	[smem:$0x3FAC] =	sst s7  }
0x10: {  	[smem:$0x3FAD] =	sst s8  }
0x11: {  	[smem:$0x3FAE] =	sst s9;
	s0 =	simm.s32 @!p0 $0x0  }
0x12: {  	s1 =	sld [smem:$0x3F94];
	s0 =	simm.s32 @p0 $0x1  }
0x13: {  	[smem:$0x3FAF] =	sst s0;
	s0 =	simm.s32 @!p1 $0x0  }
0x14: {  	s2 =	sld [smem:$0x3F93];
	s0 =	simm.s32 @p1 $0x1  }
0x15: {  	[smem:$0x3FB0] =	sst s0;
	s0 =	simm.s32 @!p2 $0x0  }
0x16: {  	s3 =	sld [smem:$0x3FDB];
	s0 =	simm.s32 @p2 $0x1  }
0x17: {  	s4 =	simm.s32 $0x1BF5;
	[smem:$0x3FB2] =	sst s0  }
0x18: {  	s0 =	sld [smem:$0x3F95];
	_ =	swait.ge [sflag:s4], $0x0  }
0x19: {  	s7 =	sld [smem:$0x3F96]  }
0x1a: {  	s8 =	sadd.s32 $0xFFFFE003, lr  }
0x1b: {  	s9 =	sadd.s32 $0xFFFFFEF7, lr;
	s5 =	simm.s32 $0xFFFFFFFF;
	p2 =	slt.u32 s8, $0xFFFFF086  }
0x1c: {  	p1 =	slt.u32 s9, $0xF7A;
	s5 =	simm.s32 @!p2 $0x0  }
0x1d: {  	s5 =	simm.s32 @p1 $0x1;
	p0 =	seq.s32 s7, s2  }
0x1e: {  	s7 =	smul.u32 @!p0 $0xF7A, s2;
	p2 =	seq.s32 @!p0 s5, $0x0  }
0x1f: {  	s9 =	smul.u32 $0xF7A, s1;
	s8 =	simm.s32 @!p0 $0x1BF5;
	p2 =	por !p2, p0  }
0x20: {  	[sflag:s8] =	ssyncset.s32 @!p0 $0xFFFFF086;
	s6 =	sadd.s32 @!p0 s3, s7;
	s7 =	simm.s32 @!p0 $0x108  }
0x21: {  	s3 =	sadd.s32 s3, s9;
	s6 =	sadd.s32 @!p0 $0x88, s6;
	s7 =	simm.s32 @p2 $0x1082  }
0x22: {  	[simem:s7], [sflag:s8] =	dma.local @!p0 [hbm:s6], $0xF7A  }
0x23: {  	s9 =	sor.u32 $0xD0000000, s2;
	s6 =	simm.s32 $0x108;
	_ =	swait.ge @!p0 [sflag:s8], $0x0  }
0x24: {  	s3 =	sadd.s32 $0x88, s3;
	s6 =	simm.s32 @!p1 $0x1082;
	[sflag:s4] =	ssyncset.s32 $0xFFFFF086  }
0x25: {  	[simem:s6], [sflag:s4] =	dma.local [hbm:s3], $0xF7A  }
0x26: {  	[smem:$0x3F96] =	sst s1;
	(tag) =	ssettag s2;
	_ =	strace s9  }
0x27: {  	s1 =	sld [smem:$0x3FA6]  }
0x28: {  	s2 =	sld [smem:$0x3FA7]  }
0x29: {  	s4 =	sld [smem:$0x3FA9]  }
0x2a: {  	p0 =	seq.s32 s5, $0x0;
	s5 =	sld [smem:$0x3FAA]  }
0x2b: {  	s6 =	sld [smem:$0x3FAB]  }
0x2c: {  	s7 =	sld [smem:$0x3FAC]  }
0x2d: {  	s3 =	simm.s32 $0x108;
	s8 =	sld [smem:$0x3FAD]  }
0x2e: {  	s3 =	simm.s32 @!p0 $0x1082;
	s9 =	sld [smem:$0x3FAE]  }
0x2f: {  	lr =	sadd.s32 s0, s3;
	s0 =	sld [smem:$0x3FA5]  }
0x30: {  	s3 =	sld [smem:$0x3FA8]  }
0x31: {  	[smem:$0x3FB1] =	sst s10  }
0x32: {  	s10 =	sld [smem:$0x3FAF];
	_ =	sdelay $0x3  }
0x33: {  	p0 =	seq.s32 s10, $0x1;
	s10 =	sld [smem:$0x3FB1];
	_ =	sdelay $0x3  }
0x34: {  	[smem:$0x3FB1] =	sst s10  }
0x35: {  	s10 =	sld [smem:$0x3FB0];
	_ =	sdelay $0x3  }
0x36: {  	p1 =	seq.s32 s10, $0x1;
	s10 =	sld [smem:$0x3FB1];
	_ =	sdelay $0x3  }
0x37: {  	[smem:$0x3FB1] =	sst s10  }
0x38: {  	s10 =	sld [smem:$0x3FB2]  }
0x39: {  	_ = 	snop;
	(pc) =	sbr.ind lr, $3  }
0x3a: {  	_ = 	snop  }
0x3b: {  	_ = 	snop  }
0x3c: {  	p2 =	seq.s32 s10, $0x1;
	s10 =	sld [smem:$0x3FB1]  }
0x3d: {  	_ =	shalt  }
0x3e: {  	_ =	shalt  }
0x3f: {  	_ =	shalt  }
0x40: {  	_ =	shalt  }
0x41: {  	_ =	shalt  }
0x42: {  	_ =	shalt  }
0x43: {  	_ =	shalt  }
0x44: {  	_ =	shalt  }
0x45: {  	_ =	shalt  }
0x46: {  	_ =	shalt  }
0x47: {  	_ =	shalt  }
0x48: {  	_ =	shalt  }
0x49: {  	_ =	shalt  }
0x4a: {  	_ =	shalt  }
0x4b: {  	_ =	shalt  }
0x4c: {  	_ =	shalt  }
0x4d: {  	_ =	shalt  }
0x4e: {  	_ =	shalt  }
0x4f: {  	_ =	shalt  }
0x50: {  	_ =	shalt  }
0x51: {  	_ =	shalt  }
0x52: {  	_ =	shalt  }
0x53: {  	_ =	shalt  }
0x54: {  	_ =	shalt  }
0x55: {  	_ =	shalt  }
0x56: {  	_ =	shalt  }
0x57: {  	_ =	shalt  }
0x58: {  	_ =	shalt  }
0x59: {  	_ =	shalt  }
0x5a: {  	_ =	shalt  }
0x5b: {  	_ =	shalt  }
0x5c: {  	_ =	shalt  }
0x5d: {  	_ =	shalt  }
0x5e: {  	_ =	shalt  }
0x5f: {  	_ =	shalt  }
0x60: {  	_ =	shalt  }
0x61: {  	_ =	shalt  }
0x62: {  	_ =	shalt  }
0x63: {  	_ =	shalt  }
0x64: {  	_ =	shalt  }
0x65: {  	_ =	shalt  }
0x66: {  	_ =	shalt  }
0x67: {  	_ =	shalt  }
0x68: {  	_ =	shalt  }
0x69: {  	_ =	shalt  }
0x6a: {  	_ =	shalt  }
0x6b: {  	_ =	shalt  }
0x6c: {  	_ =	shalt  }
0x6d: {  	_ =	shalt  }
0x6e: {  	_ =	shalt  }
0x6f: {  	_ =	shalt  }
0x70: {  	_ =	shalt  }
0x71: {  	_ =	shalt  }
0x72: {  	_ =	shalt  }
0x73: {  	_ =	shalt  }
0x74: {  	_ =	shalt  }
0x75: {  	_ =	shalt  }
0x76: {  	_ =	shalt  }
0x77: {  	_ =	shalt  }
0x78: {  	_ =	shalt  }
0x79: {  	_ =	shalt  }
0x7a: {  	_ =	shalt  }
0x7b: {  	_ =	shalt  }
0x7c: {  	_ =	shalt  }
0x7d: {  	_ =	shalt  }
0x7e: {  	_ =	shalt  }
0x7f: {  	_ =	shalt  }
0x80: {  	_ =	shalt  }
0x81: {  	_ =	shalt  }
0x82: {  	_ =	shalt  }
0x83: {  	_ =	shalt  }
0x84: {  	_ =	shalt  }
0x85: {  	_ =	shalt  }
0x86: {  	_ =	shalt  }
0x87: {  	_ =	shalt  }
.Lfunc_end0:
.L_simem_size_0:
called_computation_lowered:
.L_overlay_start_0:
0x88: {  	s2 =	sld [smem:$0x3FD9]  }
0x89: {  	s3 =	sld [smem:$0x3FFE];
	_ =	sdelay $0x1  }
0x8a: {  	s1 =	srdreg.scid  }
0x8b: {  	s0 =	sand.u32 $0x1, s1  }
0x8c: {  	s17 =	sshll.u32 s0, $0xA;
	s2 =	sadd.s32 s3, s2  }
0x8d: {  	s2 =	sadd.s32 s2, s17  }
0x8e: {  	[smem:$0x3FBD] =	sst s2  }
0x8f: {  	_ = 	snop  }
0x90: {  	s18 =	sld [smem:$0x3FD0];
	(tm) =	ssettm $0x1  }
0x91: {  	s19 =	sld [smem:$0x3FFB];
	_ =	sdelay $0x3  }
0x92: {  	_ =	strace s19  }
0x93: {  	s2 =	sld [smem:$0x3FFC];
	_ =	sdelay $0x3  }
0x94: {  	_ =	strace s2  }
0x95: {  	s2 =	sld [smem:$0x3FFD];
	_ =	sdelay $0x3  }
0x96: {  	_ =	strace s2  }
0x97: {  	_ =	strace $0x8FFFFFFF  }
0x98: {  	s20 =	sld [smem:$0x3FDB];
	_ =	sdelay $0x1  }
0x99: {  	s4 =	simm.s32 $_scs_section_size  }
0x9a: {  	s5 =	simm.s32 $_size__tile_overlayer_lowered;
	s6 =	simm.s32 $_tile_overlayer_lowered  }
0x9b: {  	s7 =	simm.s32 $0x1BFF;
	s21 =	sshll.u32 s6, $0x1;
	s4 =	sadd.s32 s4, s20  }
0x9c: {  	s22 =	simm.s32 $0x0;
	s5 =	sshll.u32 s5, $0x1;
	s6 =	sadd.s32 s21, s4  }
0x9d: {  	[timem:s22], [sflag:s7] =	dma.local [hbm:s6], s5  }
0x9e: {  	_ =	swait.ge [sflag:s7], s5  }
0x9f: {  	s5 =	ssub.s32 $0x0, s5;
	[sflag:s7] =	ssyncset.done $0x0  }
0xa0: {  	[sflag:s7] =	ssyncadd.s32 s5;
	_ =	sdelay $0x1  }
0xa1: {  	s23 =	simm.s32 $0x1B8B  }
0xa2: {  	_ =	swait.ge [sflag:s23], $0x1  }
0xa3: {  	[sflag:s23] =	ssyncset.done $0x0  }
0xa4: {  	[sflag:s23] =	ssyncadd.s32 $0xFFFFFFFF  }
0xa5: {  	s5 =	sld [smem:$0x0]  }
0xa6: {  	s6 =	sand.u32 $0xFFFFFFFE, s1  }
0xa7: {  	p0 =	sne.s32 s1, s6  }
0xa8: {  	s6 =	sshll.u32 @p0 s6, $0xE  }
0xa9: {  	s6 =	sadd.s32 @p0 $0x11B8D, s6;
	s7 =	sshll.u32 @p0 s5, $0x11  }
0xaa: {  	s6 =	sor.u32 @p0 s7, s6  }
0xab: {  	[sflag:s6] =	ssyncadd.remote.s32 @p0 $0x1;
	_ =	sdelay $0x1  }
0xac: {  	s6 =	simm.s32 @p0 $0x1B8D  }
0xad: {  	_ =	swait.eq @p0 [sflag:s6], $0x1  }
0xae: {  	[sflag:s6] =	ssyncadd.s32 @p0 $0xFFFFFFFF  }
0xaf: {  	s7 =	sshll.u32 @!p0 s1, $0xE  }
0xb0: {  	s7 =	sor.u32 @!p0 $0x4000, s7;
	s6 =	simm.s32 @!p0 $0x1B8D  }
0xb1: {  	s5 =	sshll.u32 @!p0 s5, $0x11;
	s7 =	sadd.s32 @!p0 $0x11B8D, s7;
	_ =	swait.eq @!p0 [sflag:s6], $0x1  }
0xb2: {  	s5 =	sor.u32 @!p0 s5, s7;
	[sflag:s6] =	ssyncadd.s32 @!p0 $0xFFFFFFFF  }
0xb3: {  	s25 =	simm.s32 $0x1B8E;
	s24 =	sld [smem:$0x3FFE];
	[sflag:s5] =	ssyncadd.remote.s32 @!p0 $0x1  }
0xb4: {  	s26 =	simm.s32 $execute0_lowered;
	[smem:$0x3FD2] =	sst s25  }
0xb5: {  	s6 =	sshll.u32 s26, $0x1;
	_ =	strace $0x8000004F;
	[dreg:$0x1] =	wrdreg $0xFFFFFFFF  }
0xb6: {  	s28 =	simm.s32 $_size_execute0_lowered;
	s4 =	sadd.s32 s4, s6;
	[dreg:$0x0] =	wrdreg $0x0  }
0xb7: {  	s6 =	sshll.u32 s28, $0x1;
	[dreg:$0x2] =	wrdreg s4  }
0xb8: {  	[dreg:$0x3] =	wrdreg s6  }
0xb9: {  	[dreg:$0x4] =	wrdreg $0xC0  }
0xba: {  	_ =	task [dreg:s22], $0x5FFFF  }
0xbb: {  	[dreg:$0x1] =	wrdreg $0xFFFFFFFF  }
0xbc: {  	[dreg:$0x0] =	wrdreg $0x60  }
0xbd: {  	[dreg:$0x2] =	wrdreg s24  }
0xbe: {  	[dreg:$0x3] =	wrdreg s18  }
0xbf: {  	[dreg:$0x4] =	wrdreg $0x9  }
0xc0: {  	_ =	task.clear_ibuf [dreg:s22], $0x5FFFF;
	_ =	strace $0x9000004F  }
0xc1: {  	s29 =	simm.s32 $0x9;
	_ =	strace $0x80000051  }
0xc2: {  	_ =	swait.ge [sflag:s29], $0x1  }
0xc3: {  	[sflag:s29] =	ssyncadd.s32 $0xFFFFFFFF  }
0xc4: {  	_ =	strace $0x90000051  }
0xc5: {  	_ =	sfence  }
0xc6: {  	s30 =	sld [smem:$0x0];
	_ =	sdelay $0x2  }
0xc7: {  	s31 =	sshll.u32 s1, $0xD;
	s1 =	sshrl.u32 s1, $0x2  }
0xc8: {  	s4 =	sand.u32 $0x4000, s31;
	s1 =	sadd.s32 s1, s30  }
0xc9: {  	s0 =	sor.u32 s4, s0;
	s1 =	sshll.u32 s1, $0x11  }
0xca: {  	s0 =	sor.u32 s1, s0  }
0xcb: {  	s0 =	sadd.s32 $0x8F2B, s0  }
0xcc: {  	[sflag:s0] =	ssyncadd.remote.s32 $0x1  }
0xcd: {  	_ =	sfence.sel $0xFFFF  }
0xce: {  	[dreg:$0x0] =	wrdreg $0xFFFFFFFF;
	(pc) =	sbr.abs _section_cstart, $3  }
0xcf: {  	[dreg:$0x1] =	wrdreg $0xFFFFFFFF  }
0xd0: {  	_ =	task.clear_ibuf [dreg:s22], $0x2FFFF;
	_ =	strace $0x9FFFFFFF  }
0xd1: {  	(tm) =	ssettm $0x7FFFFFFF  }
tec
execute0_lowered:
.L_overlay_start_1:
0x0: {  	(tag) =	ssettag $0x1  }
0x1: {  	s4 =	rddreg [dreg:$0x0]  }
0x2: {  	s5 =	rddreg [dreg:$0x1]  }
0x3: {  	s0 =	rddreg [dreg:$0x2];
	s2 =	simm.s32 $0x0  }
0x4: {  	s1 =	stileid.u32;
	s3 =	srdreg.scid;
	s11 =	simm.s32 $0x0  }
0x5: {  	[smem:$0x7FF] =	sst s2;
	s6 =	sshll.u32 s1, $0x11;
	s7 =	sand.u32 $0x1, s3  }
0x6: {  	s3 =	sadd.s32 $0xEC00, s4;
	s9 =	sshll.u32 s1, $0xA;
	_ =	strace $0x80000050  }
0x7: {  	s6 =	sadd.s32 s6, s4;
	s30 =	ssub.s32 $0x2, s7;
	s10 =	sshll.u32 s7, $0x9  }
0x8: {  	s7 =	sshll.u32 s7, $0x10;
	s8 =	sshrl.u32 s30, $0x1;
	s31 =	sor.u32 s10, s9  }
0x9: {  	s6 =	sadd.s32 s7, s6;
	s7 =	simm.s32 $0x2;
	s9 =	simm.s32 $0x1000  }
0xa: {  	s10 =	simm.s32 $0x1;
	s8 =	ssub.s32 s30, s8;
	s4 =	sadd.s32 s5, s31  }
0xb: {  	s6 =	sadd.s32 $0xE1EC00, s6;
	s5 =	smax.u32 s8, $0x1;
	s8 =	simm.s32 $0x80  }
.LBB2_1:
0xc: {  	[tilespmem:s2], [sflag:$0x2] =	stream.linear.gather [hbm4b:s4+s2], $0x1000, $0x38;
	[tilespmem:$0x5000] =	vst v63  }
0xd: {  	_ =	swait.ge [sflag:s7], $0x1000  }
0xe: {  	[sflag:s7] =	ssyncset.done $0x0  }
0xf: {  	s12 =	simm.s32 $0x0;
	[sflag:s7] =	ssyncadd.s32 $0xFFFFF000  }
0x10: {  	[tilespmem:s9], [sflag:$0x1] =	stream.indirect.gather [hbm4b:s3+s8], $0x80, s12, s8, $0xb8;
	[tilespmem:$0x5000] =	vst v63  }
0x11: {  	_ =	swait.ge [sflag:s10], $0x4000  }
0x12: {  	[sflag:s10] =	ssyncset.done $0x0  }
0x13: {  	[sflag:s10] =	ssyncadd.s32 $0xFFFFC000  }
0x14: {  	[hbm4b:s6+s2] =	stream.linear.scatter [tilespmem:s9], [sflag:$0x2], $0x4000, $0x38;
	[tilespmem:$0x5000] =	vst v63  }
0x15: {  	s13 =	simm.s32 $0x200;
	_ =	swait.ge [sflag:s7], $0x4000  }
0x16: {  	s14 =	simm.s32 $0x400;
	s12 =	sadd.s32 $0x800, s6;
	[sflag:s7] =	ssyncset.done $0x0  }
.LBB2_2:
0x17: {  	s15 =	sshra.s32 s13, $0x2  }
0x18: {  	[sflag:s7] =	ssyncadd.s32 $0xFFFFC000;
	s13 =	smov.u32 s14;
	s16 =	sadd.s32 $0x200, s14  }
0x19: {  	[tilespmem:s9], [sflag:$0x1] =	stream.indirect.gather [hbm4b:s3+s8], $0x80, s15, s8, $0xb8;
	[tilespmem:$0x5000] =	vst v63  }
0x1a: {  	p0 =	sne.s32 s14, $0x3E00;
	_ =	swait.ge [sflag:s10], $0x4000  }
.Ltmp0:
0x1b: {  	[sflag:s10] =	ssyncset.done $0x0;
	(pc) =	sbr.rel @p0 .LBB2_2-.Ltmp0, $4  }
0x1c: {  	[sflag:s10] =	ssyncadd.s32 $0xFFFFC000  }
0x1d: {  	[hbm4b:s12+s2] =	stream.linear.scatter [tilespmem:s9], [sflag:$0x2], $0x4000, $0x38;
	[tilespmem:$0x5000] =	vst v63  }
0x1e: {  	_ =	swait.ge [sflag:s7], $0x4000  }
0x1f: {  	s14 =	smov.u32 s16;
	s12 =	sadd.s32 $0x800, s12;
	[sflag:s7] =	ssyncset.done $0x0  }
0x20: {  	s13 =	sshra.s32 s13, $0x2;
	[sflag:s7] =	ssyncadd.s32 $0xFFFFC000  }
0x21: {  	[tilespmem:s9], [sflag:$0x1] =	stream.indirect.gather [hbm4b:s3+s8], $0x80, s13, s8, $0xb8;
	[tilespmem:$0x5000] =	vst v63  }
0x22: {  	s11 =	sadd.s32 $0x1, s11;
	_ =	swait.ge [sflag:s10], $0x4000  }
0x23: {  	p0 =	sne.s32 s11, s5;
	[sflag:s10] =	ssyncset.done $0x0  }
.Ltmp1:
0x24: {  	[sflag:s10] =	ssyncadd.s32 $0xFFFFC000;
	(pc) =	sbr.rel @p0 .LBB2_1-.Ltmp1, $4  }
0x25: {  	[hbm4b:s12+s2] =	stream.linear.scatter [tilespmem:s9], [sflag:$0x2], $0x4000, $0x38;
	[tilespmem:$0x5000] =	vst v63  }
0x26: {  	_ =	swait.ge [sflag:s7], $0x4000  }
0x27: {  	[sflag:s7] =	ssyncset.done $0x0  }
0x28: {  	[sflag:s7] =	ssyncadd.s32 $0xFFFFC000  }
0x29: {  	_ =	sfence.sel $0x180000  }
0x2a: {  	[bflag:$0x0] =	sbarrier.arrive $0xFFFF  }
0x2b: {  	p0 =	sne.s32 s1, $0x0;
	_ =	strace $0x90000050  }
0x2c: {  	s0 =	sadd.s32 @!p0 $0x100000, s0;
	[bflag:$0x2] =	sbarrier.arrive $0xFFFF  }
0x2d: {  	[sflag:s0] =	ssyncadd.tile.s32 @!p0 $0x1;
	_ =	shalt  }
.Lfunc_end2:
_tile_overlayer_lowered:
.L_overlay_start_2:
0x2e: {  	(tag) =	ssettag $0x2  }
0x2f: {  	s0 =	rddreg [dreg:$0x0];
	s2 =	stileid.u32  }
0x30: {  	s1 =	rddreg [dreg:$0x1];
	p0 =	sne.s32 s2, $0x0  }
0x31: {  	s3 =	rddreg [dreg:$0x2];
	[bflag:$0x3] =	sbarrier.arrive $0xFFFF;
	s2 =	simm.s32 @!p0 $0x1C02  }
0x32: {  	[timem:s3], [sflag:s2] =	dma.local @!p0 [hbm:s0], s1  }
0x33: {  	s0 =	simm.s32 @!p0 $0x2  }
0x34: {  	_ =	swait.ge @!p0 [sflag:s0], s1  }
0x35: {  	s1 =	ssub.s32 @!p0 $0x0, s1;
	[sflag:s0] =	ssyncset.done @!p0 $0x0  }
0x36: {  	[sflag:s0] =	ssyncadd.s32 @!p0 s1  }
0x37: {  	[bflag:$0x3] =	sbarrier.arrive $0xFFFF  }
0x38: {  	_ =	shalt  }

// kernel: kernel.14.cloned.1.call-start
scs
__scs_entry_jumppad:
0x0: {  	(pc) =	sbr.rel $0x88, $3  }
0x1: {  	(tag) =	ssettag $0x0;
	lr =	simm.s32 $0x1  }
0x2: {  	[smem:$0x3F96] =	sst lr;
	_ =	strace $0xD0000000  }
0x3: {  	_ = 	snop  }
0x4: {  	_ = 	snop  }
0x5: {  	_ = 	snop  }
0x6: {  	_ = 	snop  }
0x7: {  	_ = 	snop  }
__scs_overlays_trampoline_lowered:
0x8: {  	[smem:$0x3FA5] =	sst s0  }
0x9: {  	[smem:$0x3FA6] =	sst s1  }
0xa: {  	[smem:$0x3FA7] =	sst s2  }
0xb: {  	[smem:$0x3FA8] =	sst s3  }
0xc: {  	[smem:$0x3FA9] =	sst s4  }
0xd: {  	[smem:$0x3FAA] =	sst s5  }
0xe: {  	[smem:$0x3FAB] =	sst s6  }
0xf: {  	[smem:$0x3FAC] =	sst s7  }
0x10: {  	[smem:$0x3FAD] =	sst s8  }
0x11: {  	[smem:$0x3FAE] =	sst s9;
	s0 =	simm.s32 @!p0 $0x0  }
0x12: {  	s1 =	sld [smem:$0x3F94];
	s0 =	simm.s32 @p0 $0x1  }
0x13: {  	[smem:$0x3FAF] =	sst s0;
	s0 =	simm.s32 @!p1 $0x0  }
0x14: {  	s2 =	sld [smem:$0x3F93];
	s0 =	simm.s32 @p1 $0x1  }
0x15: {  	[smem:$0x3FB0] =	sst s0;
	s0 =	simm.s32 @!p2 $0x0  }
0x16: {  	s3 =	sld [smem:$0x3FDB];
	s0 =	simm.s32 @p2 $0x1  }
0x17: {  	s4 =	simm.s32 $0x1BF5;
	[smem:$0x3FB2] =	sst s0  }
0x18: {  	s0 =	sld [smem:$0x3F95];
	_ =	swait.ge [sflag:s4], $0x0  }
0x19: {  	s7 =	sld [smem:$0x3F96]  }
0x1a: {  	s8 =	sadd.s32 $0xFFFFE003, lr  }
0x1b: {  	s9 =	sadd.s32 $0xFFFFFEF7, lr;
	s5 =	simm.s32 $0xFFFFFFFF;
	p2 =	slt.u32 s8, $0xFFFFF086  }
0x1c: {  	p1 =	slt.u32 s9, $0xF7A;
	s5 =	simm.s32 @!p2 $0x0  }
0x1d: {  	s5 =	simm.s32 @p1 $0x1;
	p0 =	seq.s32 s7, s2  }
0x1e: {  	s7 =	smul.u32 @!p0 $0xF7A, s2;
	p2 =	seq.s32 @!p0 s5, $0x0  }
0x1f: {  	s9 =	smul.u32 $0xF7A, s1;
	s8 =	simm.s32 @!p0 $0x1BF5;
	p2 =	por !p2, p0  }
0x20: {  	[sflag:s8] =	ssyncset.s32 @!p0 $0xFFFFF086;
	s6 =	sadd.s32 @!p0 s3, s7;
	s7 =	simm.s32 @!p0 $0x108  }
0x21: {  	s3 =	sadd.s32 s3, s9;
	s6 =	sadd.s32 @!p0 $0x88, s6;
	s7 =	simm.s32 @p2 $0x1082  }
0x22: {  	[simem:s7], [sflag:s8] =	dma.local @!p0 [hbm:s6], $0xF7A  }
0x23: {  	s9 =	sor.u32 $0xD0000000, s2;
	s6 =	simm.s32 $0x108;
	_ =	swait.ge @!p0 [sflag:s8], $0x0  }
0x24: {  	s3 =	sadd.s32 $0x88, s3;
	s6 =	simm.s32 @!p1 $0x1082;
	[sflag:s4] =	ssyncset.s32 $0xFFFFF086  }
0x25: {  	[simem:s6], [sflag:s4] =	dma.local [hbm:s3], $0xF7A  }
0x26: {  	[smem:$0x3F96] =	sst s1;
	(tag) =	ssettag s2;
	_ =	strace s9  }
0x27: {  	s1 =	sld [smem:$0x3FA6]  }
0x28: {  	s2 =	sld [smem:$0x3FA7]  }
0x29: {  	s4 =	sld [smem:$0x3FA9]  }
0x2a: {  	p0 =	seq.s32 s5, $0x0;
	s5 =	sld [smem:$0x3FAA]  }
0x2b: {  	s6 =	sld [smem:$0x3FAB]  }
0x2c: {  	s7 =	sld [smem:$0x3FAC]  }
0x2d: {  	s3 =	simm.s32 $0x108;
	s8 =	sld [smem:$0x3FAD]  }
0x2e: {  	s3 =	simm.s32 @!p0 $0x1082;
	s9 =	sld [smem:$0x3FAE]  }
0x2f: {  	lr =	sadd.s32 s0, s3;
	s0 =	sld [smem:$0x3FA5]  }
0x30: {  	s3 =	sld [smem:$0x3FA8]  }
0x31: {  	[smem:$0x3FB1] =	sst s10  }
0x32: {  	s10 =	sld [smem:$0x3FAF];
	_ =	sdelay $0x3  }
0x33: {  	p0 =	seq.s32 s10, $0x1;
	s10 =	sld [smem:$0x3FB1];
	_ =	sdelay $0x3  }
0x34: {  	[smem:$0x3FB1] =	sst s10  }
0x35: {  	s10 =	sld [smem:$0x3FB0];
	_ =	sdelay $0x3  }
0x36: {  	p1 =	seq.s32 s10, $0x1;
	s10 =	sld [smem:$0x3FB1];
	_ =	sdelay $0x3  }
0x37: {  	[smem:$0x3FB1] =	sst s10  }
0x38: {  	s10 =	sld [smem:$0x3FB2]  }
0x39: {  	_ = 	snop;
	(pc) =	sbr.ind lr, $3  }
0x3a: {  	_ = 	snop  }
0x3b: {  	_ = 	snop  }
0x3c: {  	p2 =	seq.s32 s10, $0x1;
	s10 =	sld [smem:$0x3FB1]  }
0x3d: {  	_ =	shalt  }
0x3e: {  	_ =	shalt  }
0x3f: {  	_ =	shalt  }
0x40: {  	_ =	shalt  }
0x41: {  	_ =	shalt  }
0x42: {  	_ =	shalt  }
0x43: {  	_ =	shalt  }
0x44: {  	_ =	shalt  }
0x45: {  	_ =	shalt  }
0x46: {  	_ =	shalt  }
0x47: {  	_ =	shalt  }
0x48: {  	_ =	shalt  }
0x49: {  	_ =	shalt  }
0x4a: {  	_ =	shalt  }
0x4b: {  	_ =	shalt  }
0x4c: {  	_ =	shalt  }
0x4d: {  	_ =	shalt  }
0x4e: {  	_ =	shalt  }
0x4f: {  	_ =	shalt  }
0x50: {  	_ =	shalt  }
0x51: {  	_ =	shalt  }
0x52: {  	_ =	shalt  }
0x53: {  	_ =	shalt  }
0x54: {  	_ =	shalt  }
0x55: {  	_ =	shalt  }
0x56: {  	_ =	shalt  }
0x57: {  	_ =	shalt  }
0x58: {  	_ =	shalt  }
0x59: {  	_ =	shalt  }
0x5a: {  	_ =	shalt  }
0x5b: {  	_ =	shalt  }
0x5c: {  	_ =	shalt  }
0x5d: {  	_ =	shalt  }
0x5e: {  	_ =	shalt  }
0x5f: {  	_ =	shalt  }
0x60: {  	_ =	shalt  }
0x61: {  	_ =	shalt  }
0x62: {  	_ =	shalt  }
0x63: {  	_ =	shalt  }
0x64: {  	_ =	shalt  }
0x65: {  	_ =	shalt  }
0x66: {  	_ =	shalt  }
0x67: {  	_ =	shalt  }
0x68: {  	_ =	shalt  }
0x69: {  	_ =	shalt  }
0x6a: {  	_ =	shalt  }
0x6b: {  	_ =	shalt  }
0x6c: {  	_ =	shalt  }
0x6d: {  	_ =	shalt  }
0x6e: {  	_ =	shalt  }
0x6f: {  	_ =	shalt  }
0x70: {  	_ =	shalt  }
0x71: {  	_ =	shalt  }
0x72: {  	_ =	shalt  }
0x73: {  	_ =	shalt  }
0x74: {  	_ =	shalt  }
0x75: {  	_ =	shalt  }
0x76: {  	_ =	shalt  }
0x77: {  	_ =	shalt  }
0x78: {  	_ =	shalt  }
0x79: {  	_ =	shalt  }
0x7a: {  	_ =	shalt  }
0x7b: {  	_ =	shalt  }
0x7c: {  	_ =	shalt  }
0x7d: {  	_ =	shalt  }
0x7e: {  	_ =	shalt  }
0x7f: {  	_ =	shalt  }
0x80: {  	_ =	shalt  }
0x81: {  	_ =	shalt  }
0x82: {  	_ =	shalt  }
0x83: {  	_ =	shalt  }
0x84: {  	_ =	shalt  }
0x85: {  	_ =	shalt  }
0x86: {  	_ =	shalt  }
0x87: {  	_ =	shalt  }
.Lfunc_end0:
.L_simem_size_0:
called_computation.1_lowered:
.L_overlay_start_0:
0x88: {  	s2 =	sld [smem:$0x3FD9]  }
0x89: {  	s3 =	sld [smem:$0x3FFE];
	_ =	sdelay $0x1  }
0x8a: {  	s1 =	srdreg.scid  }
0x8b: {  	s0 =	sand.u32 $0x1, s1  }
0x8c: {  	s17 =	sshll.u32 s0, $0xA;
	s2 =	sadd.s32 s3, s2  }
0x8d: {  	s2 =	sadd.s32 s2, s17  }
0x8e: {  	[smem:$0x3FBD] =	sst s2  }
0x8f: {  	_ = 	snop  }
0x90: {  	(tm) =	ssettm $0x1  }
0x91: {  	s18 =	sld [smem:$0x3FFB];
	_ =	sdelay $0x3  }
0x92: {  	_ =	strace s18  }
0x93: {  	s2 =	sld [smem:$0x3FFC];
	_ =	sdelay $0x3  }
0x94: {  	_ =	strace s2  }
0x95: {  	s2 =	sld [smem:$0x3FFD];
	_ =	sdelay $0x3  }
0x96: {  	_ =	strace s2  }
0x97: {  	_ =	strace $0x8FFFFFFF  }
0x98: {  	s19 =	sld [smem:$0x3FDB];
	_ =	sdelay $0x1  }
0x99: {  	s20 =	simm.s32 $_scs_section_size  }
0x9a: {  	s4 =	simm.s32 $_size__tile_overlayer_lowered;
	s5 =	simm.s32 $_tile_overlayer_lowered  }
0x9b: {  	s6 =	simm.s32 $0x1BFF;
	s21 =	sshll.u32 s5, $0x1;
	s3 =	sadd.s32 s20, s19  }
0x9c: {  	s22 =	simm.s32 $0x0;
	s4 =	sshll.u32 s4, $0x1;
	s5 =	sadd.s32 s21, s3  }
0x9d: {  	[timem:s22], [sflag:s6] =	dma.local [hbm:s5], s4  }
0x9e: {  	_ =	swait.ge [sflag:s6], s4  }
0x9f: {  	s4 =	ssub.s32 $0x0, s4;
	[sflag:s6] =	ssyncset.done $0x0  }
0xa0: {  	[sflag:s6] =	ssyncadd.s32 s4;
	_ =	sdelay $0x1  }
0xa1: {  	s23 =	simm.s32 $0x1B8B  }
0xa2: {  	_ =	swait.ge [sflag:s23], $0x1  }
0xa3: {  	[sflag:s23] =	ssyncset.done $0x0  }
0xa4: {  	[sflag:s23] =	ssyncadd.s32 $0xFFFFFFFF  }
0xa5: {  	s4 =	sld [smem:$0x0]  }
0xa6: {  	s5 =	sand.u32 $0xFFFFFFFE, s1  }
0xa7: {  	p0 =	sne.s32 s1, s5  }
0xa8: {  	s5 =	sshll.u32 @p0 s5, $0xE  }
0xa9: {  	s5 =	sadd.s32 @p0 $0x11B8D, s5;
	s6 =	sshll.u32 @p0 s4, $0x11  }
0xaa: {  	s5 =	sor.u32 @p0 s6, s5  }
0xab: {  	[sflag:s5] =	ssyncadd.remote.s32 @p0 $0x1;
	_ =	sdelay $0x1  }
0xac: {  	s5 =	simm.s32 @p0 $0x1B8D  }
0xad: {  	_ =	swait.eq @p0 [sflag:s5], $0x1  }
0xae: {  	[sflag:s5] =	ssyncadd.s32 @p0 $0xFFFFFFFF  }
0xaf: {  	s6 =	sshll.u32 @!p0 s1, $0xE  }
0xb0: {  	s6 =	sor.u32 @!p0 $0x4000, s6;
	s5 =	simm.s32 @!p0 $0x1B8D  }
0xb1: {  	s4 =	sshll.u32 @!p0 s4, $0x11;
	s6 =	sadd.s32 @!p0 $0x11B8D, s6;
	_ =	swait.eq @!p0 [sflag:s5], $0x1  }
0xb2: {  	s4 =	sor.u32 @!p0 s4, s6;
	[sflag:s5] =	ssyncadd.s32 @!p0 $0xFFFFFFFF  }
0xb3: {  	s25 =	simm.s32 $0x1B8E;
	s24 =	sld [smem:$0x3FFE];
	[sflag:s4] =	ssyncadd.remote.s32 @!p0 $0x1  }
0xb4: {  	s26 =	simm.s32 $execute0_lowered;
	[smem:$0x3FD2] =	sst s25  }
0xb5: {  	s5 =	sshll.u32 s26, $0x1;
	_ =	strace $0x8000004C;
	[dreg:$0x1] =	wrdreg $0xFFFFFFFF  }
0xb6: {  	s28 =	simm.s32 $_size_execute0_lowered;
	s3 =	sadd.s32 s3, s5;
	[dreg:$0x0] =	wrdreg $0x0  }
0xb7: {  	s5 =	sshll.u32 s28, $0x1;
	[dreg:$0x2] =	wrdreg s3  }
0xb8: {  	[dreg:$0x3] =	wrdreg s5  }
0xb9: {  	[dreg:$0x4] =	wrdreg $0xC0  }
0xba: {  	_ =	task [dreg:s22], $0x5FFFF  }
0xbb: {  	[dreg:$0x1] =	wrdreg $0xFFFFFFFF  }
0xbc: {  	[dreg:$0x0] =	wrdreg $0x60  }
0xbd: {  	[dreg:$0x2] =	wrdreg s24  }
0xbe: {  	[dreg:$0x3] =	wrdreg $0xA  }
0xbf: {  	_ =	task.clear_ibuf [dreg:s22], $0x4FFFF;
	_ =	strace $0x9000004C  }
0xc0: {  	s29 =	simm.s32 $0xA;
	_ =	strace $0x8000004E  }
0xc1: {  	_ =	swait.ge [sflag:s29], $0x1  }
0xc2: {  	[sflag:s29] =	ssyncadd.s32 $0xFFFFFFFF  }
0xc3: {  	_ =	strace $0x9000004E  }
0xc4: {  	_ =	sfence  }
0xc5: {  	s30 =	sld [smem:$0x0];
	_ =	sdelay $0x2  }
0xc6: {  	s31 =	sshll.u32 s1, $0xD;
	s1 =	sshrl.u32 s1, $0x2  }
0xc7: {  	s4 =	sand.u32 $0x4000, s31;
	s1 =	sadd.s32 s1, s30  }
0xc8: {  	s0 =	sor.u32 s4, s0;
	s1 =	sshll.u32 s1, $0x11  }
0xc9: {  	s0 =	sor.u32 s1, s0  }
0xca: {  	s0 =	sadd.s32 $0x8F2B, s0  }
0xcb: {  	[sflag:s0] =	ssyncadd.remote.s32 $0x1  }
0xcc: {  	_ =	sfence.sel $0xFFFF  }
0xcd: {  	[dreg:$0x0] =	wrdreg $0xFFFFFFFF;
	(pc) =	sbr.abs _section_cstart, $3  }
0xce: {  	[dreg:$0x1] =	wrdreg $0xFFFFFFFF  }
0xcf: {  	_ =	task.clear_ibuf [dreg:s22], $0x2FFFF;
	_ =	strace $0x9FFFFFFF  }
0xd0: {  	(tm) =	ssettm $0x7FFFFFFF  }
0xd1: {  	_ =	shalt  }
tec
execute0_lowered:
.L_overlay_start_1:
0x0: {  	(tag) =	ssettag $0x1  }
0x1: {  	s4 =	rddreg [dreg:$0x0]  }
0x2: {  	s0 =	rddreg [dreg:$0x1];
	s2 =	simm.s32 $0x0;
	s3 =	srdreg.scid  }
0x3: {  	s1 =	stileid.u32;
	s10 =	simm.s32 $0x1;
	s11 =	simm.s32 $0x0  }
0x4: {  	[smem:$0x7FF] =	sst s2;
	s5 =	sand.u32 $0x1, s3;
	s6 =	sshll.u32 s1, $0xA  }
0x5: {  	s3 =	sadd.s32 $0xEC00, s4;
	s8 =	sshll.u32 s1, $0x11;
	_ =	strace $0x8000004D  }
0x6: {  	s7 =	sshll.u32 s5, $0x9;
	s29 =	ssub.s32 $0x2, s5;
	s8 =	sadd.s32 s8, s4  }
0x7: {  	s30 =	sshll.u32 s5, $0x10;
	s6 =	sor.u32 s7, s6;
	s9 =	sshrl.u32 s29, $0x1  }
0x8: {  	s31 =	sadd.s32 s30, s8;
	s8 =	simm.s32 $0x80;
	s6 =	sadd.s32 s6, s4  }
0x9: {  	s7 =	ssub.s32 s29, s9;
	s9 =	simm.s32 $0x1000;
	s4 =	sadd.s32 $0xAC00, s6  }
0xa: {  	s5 =	smax.u32 s7, $0x1;
	s6 =	sadd.s32 $0xC1EC00, s31;
	s7 =	simm.s32 $0x2  }
.LBB2_1:
0xb: {  	[tilespmem:s2], [sflag:$0x2] =	stream.linear.gather [hbm4b:s4+s2], $0x1000, $0x38;
	[tilespmem:$0x5000] =	vst v63  }
0xc: {  	_ =	swait.ge [sflag:s7], $0x1000  }
0xd: {  	[sflag:s7] =	ssyncset.done $0x0  }
0xe: {  	s12 =	simm.s32 $0x0;
	[sflag:s7] =	ssyncadd.s32 $0xFFFFF000  }
0xf: {  	[tilespmem:s9], [sflag:$0x1] =	stream.indirect.gather [hbm4b:s3+s8], $0x80, s12, s8, $0xb8;
	[tilespmem:$0x5000] =	vst v63  }
0x10: {  	_ =	swait.ge [sflag:s10], $0x4000  }
0x11: {  	[sflag:s10] =	ssyncset.done $0x0  }
0x12: {  	[sflag:s10] =	ssyncadd.s32 $0xFFFFC000  }
0x13: {  	[hbm4b:s6+s2] =	stream.linear.scatter [tilespmem:s9], [sflag:$0x2], $0x4000, $0x38;
	[tilespmem:$0x5000] =	vst v63  }
0x14: {  	s13 =	simm.s32 $0x200;
	_ =	swait.ge [sflag:s7], $0x4000  }
0x15: {  	s14 =	simm.s32 $0x400;
	s12 =	sadd.s32 $0x800, s6;
	[sflag:s7] =	ssyncset.done $0x0  }
.LBB2_2:
0x16: {  	s15 =	sshra.s32 s13, $0x2  }
0x17: {  	[sflag:s7] =	ssyncadd.s32 $0xFFFFC000;
	s13 =	smov.u32 s14;
	s16 =	sadd.s32 $0x200, s14  }
0x18: {  	[tilespmem:s9], [sflag:$0x1] =	stream.indirect.gather [hbm4b:s3+s8], $0x80, s15, s8, $0xb8;
	[tilespmem:$0x5000] =	vst v63  }
0x19: {  	p0 =	sne.s32 s14, $0x3E00;
	_ =	swait.ge [sflag:s10], $0x4000  }
.Ltmp0:
0x1a: {  	[sflag:s10] =	ssyncset.done $0x0;
	(pc) =	sbr.rel @p0 .LBB2_2-.Ltmp0, $4  }
0x1b: {  	[sflag:s10] =	ssyncadd.s32 $0xFFFFC000  }
0x1c: {  	[hbm4b:s12+s2] =	stream.linear.scatter [tilespmem:s9], [sflag:$0x2], $0x4000, $0x38;
	[tilespmem:$0x5000] =	vst v63  }
0x1d: {  	_ =	swait.ge [sflag:s7], $0x4000  }
0x1e: {  	s14 =	smov.u32 s16;
	s12 =	sadd.s32 $0x800, s12;
	[sflag:s7] =	ssyncset.done $0x0  }
0x1f: {  	s13 =	sshra.s32 s13, $0x2;
	[sflag:s7] =	ssyncadd.s32 $0xFFFFC000  }
0x20: {  	[tilespmem:s9], [sflag:$0x1] =	stream.indirect.gather [hbm4b:s3+s8], $0x80, s13, s8, $0xb8;
	[tilespmem:$0x5000] =	vst v63  }
0x21: {  	s11 =	sadd.s32 $0x1, s11;
	_ =	swait.ge [sflag:s10], $0x4000  }
0x22: {  	p0 =	sne.s32 s11, s5;
	[sflag:s10] =	ssyncset.done $0x0  }
.Ltmp1:
0x23: {  	[sflag:s10] =	ssyncadd.s32 $0xFFFFC000;
	(pc) =	sbr.rel @p0 .LBB2_1-.Ltmp1, $4  }
0x24: {  	[hbm4b:s12+s2] =	stream.linear.scatter [tilespmem:s9], [sflag:$0x2], $0x4000, $0x38;
	[tilespmem:$0x5000] =	vst v63  }
0x25: {  	_ =	swait.ge [sflag:s7], $0x4000  }
0x26: {  	[sflag:s7] =	ssyncset.done $0x0  }
0x27: {  	[sflag:s7] =	ssyncadd.s32 $0xFFFFC000  }
0x28: {  	_ =	sfence.sel $0x180000  }
0x29: {  	[bflag:$0x0] =	sbarrier.arrive $0xFFFF  }
0x2a: {  	p0 =	sne.s32 s1, $0x0;
	_ =	strace $0x9000004D  }
0x2b: {  	s0 =	sadd.s32 @!p0 $0x100000, s0;
	[bflag:$0x2] =	sbarrier.arrive $0xFFFF  }
0x2c: {  	[sflag:s0] =	ssyncadd.tile.s32 @!p0 $0x1;
	_ =	shalt  }
.Lfunc_end2:
_tile_overlayer_lowered:
.L_overlay_start_2:
0x2d: {  	(tag) =	ssettag $0x2  }
0x2e: {  	s0 =	rddreg [dreg:$0x0];
	s2 =	stileid.u32  }
0x2f: {  	s1 =	rddreg [dreg:$0x1];
	p0 =	sne.s32 s2, $0x0  }
0x30: {  	s3 =	rddreg [dreg:$0x2];
	[bflag:$0x3] =	sbarrier.arrive $0xFFFF;
	s2 =	simm.s32 @!p0 $0x1C02  }
0x31: {  	[timem:s3], [sflag:s2] =	dma.local @!p0 [hbm:s0], s1  }
0x32: {  	s0 =	simm.s32 @!p0 $0x2  }
0x33: {  	_ =	swait.ge @!p0 [sflag:s0], s1  }
0x34: {  	s1 =	ssub.s32 @!p0 $0x0, s1;
	[sflag:s0] =	ssyncset.done @!p0 $0x0  }
0x35: {  	[sflag:s0] =	ssyncadd.s32 @!p0 s1  }
0x36: {  	[bflag:$0x3] =	sbarrier.arrive $0xFFFF  }
0x37: {  	_ =	shalt  }

// kernel: kernel.17.cloned.1.call-start
scs
__scs_entry_jumppad:
0x0: {  	(pc) =	sbr.rel $0x88, $3  }
0x1: {  	(tag) =	ssettag $0x0;
	lr =	simm.s32 $0x1  }
0x2: {  	[smem:$0x3F96] =	sst lr;
	_ =	strace $0xD0000000  }
0x3: {  	_ = 	snop  }
0x4: {  	_ = 	snop  }
0x5: {  	_ = 	snop  }
0x6: {  	_ = 	snop  }
0x7: {  	_ = 	snop  }
__scs_overlays_trampoline_lowered:
0x8: {  	[smem:$0x3FA5] =	sst s0  }
0x9: {  	[smem:$0x3FA6] =	sst s1  }
0xa: {  	[smem:$0x3FA7] =	sst s2  }
0xb: {  	[smem:$0x3FA8] =	sst s3  }
0xc: {  	[smem:$0x3FA9] =	sst s4  }
0xd: {  	[smem:$0x3FAA] =	sst s5  }
0xe: {  	[smem:$0x3FAB] =	sst s6  }
0xf: {  	[smem:$0x3FAC] =	sst s7  }
0x10: {  	[smem:$0x3FAD] =	sst s8  }
0x11: {  	[smem:$0x3FAE] =	sst s9;
	s0 =	simm.s32 @!p0 $0x0  }
0x12: {  	s1 =	sld [smem:$0x3F94];
	s0 =	simm.s32 @p0 $0x1  }
0x13: {  	[smem:$0x3FAF] =	sst s0;
	s0 =	simm.s32 @!p1 $0x0  }
0x14: {  	s2 =	sld [smem:$0x3F93];
	s0 =	simm.s32 @p1 $0x1  }
0x15: {  	[smem:$0x3FB0] =	sst s0;
	s0 =	simm.s32 @!p2 $0x0  }
0x16: {  	s3 =	sld [smem:$0x3FDB];
	s0 =	simm.s32 @p2 $0x1  }
0x17: {  	s4 =	simm.s32 $0x1BF5;
	[smem:$0x3FB2] =	sst s0  }
0x18: {  	s0 =	sld [smem:$0x3F95];
	_ =	swait.ge [sflag:s4], $0x0  }
0x19: {  	s7 =	sld [smem:$0x3F96]  }
0x1a: {  	s8 =	sadd.s32 $0xFFFFE003, lr  }
0x1b: {  	s9 =	sadd.s32 $0xFFFFFEF7, lr;
	s5 =	simm.s32 $0xFFFFFFFF;
	p2 =	slt.u32 s8, $0xFFFFF086  }
0x1c: {  	p1 =	slt.u32 s9, $0xF7A;
	s5 =	simm.s32 @!p2 $0x0  }
0x1d: {  	s5 =	simm.s32 @p1 $0x1;
	p0 =	seq.s32 s7, s2  }
0x1e: {  	s7 =	smul.u32 @!p0 $0xF7A, s2;
	p2 =	seq.s32 @!p0 s5, $0x0  }
0x1f: {  	s9 =	smul.u32 $0xF7A, s1;
	s8 =	simm.s32 @!p0 $0x1BF5;
	p2 =	por !p2, p0  }
0x20: {  	[sflag:s8] =	ssyncset.s32 @!p0 $0xFFFFF086;
	s6 =	sadd.s32 @!p0 s3, s7;
	s7 =	simm.s32 @!p0 $0x108  }
0x21: {  	s3 =	sadd.s32 s3, s9;
	s6 =	sadd.s32 @!p0 $0x88, s6;
	s7 =	simm.s32 @p2 $0x1082  }
0x22: {  	[simem:s7], [sflag:s8] =	dma.local @!p0 [hbm:s6], $0xF7A  }
0x23: {  	s9 =	sor.u32 $0xD0000000, s2;
	s6 =	simm.s32 $0x108;
	_ =	swait.ge @!p0 [sflag:s8], $0x0  }
0x24: {  	s3 =	sadd.s32 $0x88, s3;
	s6 =	simm.s32 @!p1 $0x1082;
	[sflag:s4] =	ssyncset.s32 $0xFFFFF086  }
0x25: {  	[simem:s6], [sflag:s4] =	dma.local [hbm:s3], $0xF7A  }
0x26: {  	[smem:$0x3F96] =	sst s1;
	(tag) =	ssettag s2;
	_ =	strace s9  }
0x27: {  	s1 =	sld [smem:$0x3FA6]  }
0x28: {  	s2 =	sld [smem:$0x3FA7]  }
0x29: {  	s4 =	sld [smem:$0x3FA9]  }
0x2a: {  	p0 =	seq.s32 s5, $0x0;
	s5 =	sld [smem:$0x3FAA]  }
0x2b: {  	s6 =	sld [smem:$0x3FAB]  }
0x2c: {  	s7 =	sld [smem:$0x3FAC]  }
0x2d: {  	s3 =	simm.s32 $0x108;
	s8 =	sld [smem:$0x3FAD]  }
0x2e: {  	s3 =	simm.s32 @!p0 $0x1082;
	s9 =	sld [smem:$0x3FAE]  }
0x2f: {  	lr =	sadd.s32 s0, s3;
	s0 =	sld [smem:$0x3FA5]  }
0x30: {  	s3 =	sld [smem:$0x3FA8]  }
0x31: {  	[smem:$0x3FB1] =	sst s10  }
0x32: {  	s10 =	sld [smem:$0x3FAF];
	_ =	sdelay $0x3  }
0x33: {  	p0 =	seq.s32 s10, $0x1;
	s10 =	sld [smem:$0x3FB1];
	_ =	sdelay $0x3  }
0x34: {  	[smem:$0x3FB1] =	sst s10  }
0x35: {  	s10 =	sld [smem:$0x3FB0];
	_ =	sdelay $0x3  }
0x36: {  	p1 =	seq.s32 s10, $0x1;
	s10 =	sld [smem:$0x3FB1];
	_ =	sdelay $0x3  }
0x37: {  	[smem:$0x3FB1] =	sst s10  }
0x38: {  	s10 =	sld [smem:$0x3FB2]  }
0x39: {  	_ = 	snop;
	(pc) =	sbr.ind lr, $3  }
0x3a: {  	_ = 	snop  }
0x3b: {  	_ = 	snop  }
0x3c: {  	p2 =	seq.s32 s10, $0x1;
	s10 =	sld [smem:$0x3FB1]  }
0x3d: {  	_ =	shalt  }
0x3e: {  	_ =	shalt  }
0x3f: {  	_ =	shalt  }
0x40: {  	_ =	shalt  }
0x41: {  	_ =	shalt  }
0x42: {  	_ =	shalt  }
0x43: {  	_ =	shalt  }
0x44: {  	_ =	shalt  }
0x45: {  	_ =	shalt  }
0x46: {  	_ =	shalt  }
0x47: {  	_ =	shalt  }
0x48: {  	_ =	shalt  }
0x49: {  	_ =	shalt  }
0x4a: {  	_ =	shalt  }
0x4b: {  	_ =	shalt  }
0x4c: {  	_ =	shalt  }
0x4d: {  	_ =	shalt  }
0x4e: {  	_ =	shalt  }
0x4f: {  	_ =	shalt  }
0x50: {  	_ =	shalt  }
0x51: {  	_ =	shalt  }
0x52: {  	_ =	shalt  }
0x53: {  	_ =	shalt  }
0x54: {  	_ =	shalt  }
0x55: {  	_ =	shalt  }
0x56: {  	_ =	shalt  }
0x57: {  	_ =	shalt  }
0x58: {  	_ =	shalt  }
0x59: {  	_ =	shalt  }
0x5a: {  	_ =	shalt  }
0x5b: {  	_ =	shalt  }
0x5c: {  	_ =	shalt  }
0x5d: {  	_ =	shalt  }
0x5e: {  	_ =	shalt  }
0x5f: {  	_ =	shalt  }
0x60: {  	_ =	shalt  }
0x61: {  	_ =	shalt  }
0x62: {  	_ =	shalt  }
0x63: {  	_ =	shalt  }
0x64: {  	_ =	shalt  }
0x65: {  	_ =	shalt  }
0x66: {  	_ =	shalt  }
0x67: {  	_ =	shalt  }
0x68: {  	_ =	shalt  }
0x69: {  	_ =	shalt  }
0x6a: {  	_ =	shalt  }
0x6b: {  	_ =	shalt  }
0x6c: {  	_ =	shalt  }
0x6d: {  	_ =	shalt  }
0x6e: {  	_ =	shalt  }
0x6f: {  	_ =	shalt  }
0x70: {  	_ =	shalt  }
0x71: {  	_ =	shalt  }
0x72: {  	_ =	shalt  }
0x73: {  	_ =	shalt  }
0x74: {  	_ =	shalt  }
0x75: {  	_ =	shalt  }
0x76: {  	_ =	shalt  }
0x77: {  	_ =	shalt  }
0x78: {  	_ =	shalt  }
0x79: {  	_ =	shalt  }
0x7a: {  	_ =	shalt  }
0x7b: {  	_ =	shalt  }
0x7c: {  	_ =	shalt  }
0x7d: {  	_ =	shalt  }
0x7e: {  	_ =	shalt  }
0x7f: {  	_ =	shalt  }
0x80: {  	_ =	shalt  }
0x81: {  	_ =	shalt  }
0x82: {  	_ =	shalt  }
0x83: {  	_ =	shalt  }
0x84: {  	_ =	shalt  }
0x85: {  	_ =	shalt  }
0x86: {  	_ =	shalt  }
0x87: {  	_ =	shalt  }
.Lfunc_end0:
.L_simem_size_0:
called_computation.2_lowered:
.L_overlay_start_0:
0x88: {  	s2 =	sld [smem:$0x3FD9]  }
0x89: {  	s3 =	sld [smem:$0x3FFE];
	_ =	sdelay $0x1  }
0x8a: {  	s1 =	srdreg.scid  }
0x8b: {  	s0 =	sand.u32 $0x1, s1  }
0x8c: {  	s17 =	sshll.u32 s0, $0xA;
	s2 =	sadd.s32 s3, s2  }
0x8d: {  	s2 =	sadd.s32 s2, s17  }
0x8e: {  	[smem:$0x3FBD] =	sst s2  }
0x8f: {  	_ = 	snop  }
0x90: {  	(tm) =	ssettm $0x1  }
0x91: {  	s18 =	sld [smem:$0x3FFB];
	_ =	sdelay $0x3  }
0x92: {  	_ =	strace s18  }
0x93: {  	s2 =	sld [smem:$0x3FFC];
	_ =	sdelay $0x3  }
0x94: {  	_ =	strace s2  }
0x95: {  	s2 =	sld [smem:$0x3FFD];
	_ =	sdelay $0x3  }
0x96: {  	_ =	strace s2  }
0x97: {  	_ =	strace $0x8FFFFFFF  }
0x98: {  	s19 =	sld [smem:$0x3FDB];
	_ =	sdelay $0x1  }
0x99: {  	s20 =	simm.s32 $_scs_section_size  }
0x9a: {  	s4 =	simm.s32 $_size__tile_overlayer_lowered;
	s5 =	simm.s32 $_tile_overlayer_lowered  }
0x9b: {  	s6 =	simm.s32 $0x1BFF;
	s21 =	sshll.u32 s5, $0x1;
	s3 =	sadd.s32 s20, s19  }
0x9c: {  	s22 =	simm.s32 $0x0;
	s4 =	sshll.u32 s4, $0x1;
	s5 =	sadd.s32 s21, s3  }
0x9d: {  	[timem:s22], [sflag:s6] =	dma.local [hbm:s5], s4  }
0x9e: {  	_ =	swait.ge [sflag:s6], s4  }
0x9f: {  	s4 =	ssub.s32 $0x0, s4;
	[sflag:s6] =	ssyncset.done $0x0  }
0xa0: {  	[sflag:s6] =	ssyncadd.s32 s4;
	_ =	sdelay $0x1  }
0xa1: {  	s23 =	simm.s32 $0x1B8B  }
0xa2: {  	_ =	swait.ge [sflag:s23], $0x1  }
0xa3: {  	[sflag:s23] =	ssyncset.done $0x0  }
0xa4: {  	[sflag:s23] =	ssyncadd.s32 $0xFFFFFFFF  }
0xa5: {  	s4 =	sld [smem:$0x0]  }
0xa6: {  	s5 =	sand.u32 $0xFFFFFFFE, s1  }
0xa7: {  	p0 =	sne.s32 s1, s5  }
0xa8: {  	s5 =	sshll.u32 @p0 s5, $0xE  }
0xa9: {  	s5 =	sadd.s32 @p0 $0x11B8D, s5;
	s6 =	sshll.u32 @p0 s4, $0x11  }
0xaa: {  	s5 =	sor.u32 @p0 s6, s5  }
0xab: {  	[sflag:s5] =	ssyncadd.remote.s32 @p0 $0x1;
	_ =	sdelay $0x1  }
0xac: {  	s5 =	simm.s32 @p0 $0x1B8D  }
0xad: {  	_ =	swait.eq @p0 [sflag:s5], $0x1  }
0xae: {  	[sflag:s5] =	ssyncadd.s32 @p0 $0xFFFFFFFF  }
0xaf: {  	s6 =	sshll.u32 @!p0 s1, $0xE  }
0xb0: {  	s6 =	sor.u32 @!p0 $0x4000, s6;
	s5 =	simm.s32 @!p0 $0x1B8D  }
0xb1: {  	s4 =	sshll.u32 @!p0 s4, $0x11;
	s6 =	sadd.s32 @!p0 $0x11B8D, s6;
	_ =	swait.eq @!p0 [sflag:s5], $0x1  }
0xb2: {  	s4 =	sor.u32 @!p0 s4, s6;
	[sflag:s5] =	ssyncadd.s32 @!p0 $0xFFFFFFFF  }
0xb3: {  	s25 =	simm.s32 $0x1B8E;
	s24 =	sld [smem:$0x3FFE];
	[sflag:s4] =	ssyncadd.remote.s32 @!p0 $0x1  }
0xb4: {  	s26 =	simm.s32 $execute0_lowered;
	[smem:$0x3FD2] =	sst s25  }
0xb5: {  	s5 =	sshll.u32 s26, $0x1;
	_ =	strace $0x80000049;
	[dreg:$0x1] =	wrdreg $0xFFFFFFFF  }
0xb6: {  	s28 =	simm.s32 $_size_execute0_lowered;
	s3 =	sadd.s32 s3, s5;
	[dreg:$0x0] =	wrdreg $0x0  }
0xb7: {  	s5 =	sshll.u32 s28, $0x1;
	[dreg:$0x2] =	wrdreg s3  }
0xb8: {  	[dreg:$0x3] =	wrdreg s5  }
0xb9: {  	[dreg:$0x4] =	wrdreg $0xC0  }
0xba: {  	_ =	task [dreg:s22], $0x5FFFF  }
0xbb: {  	[dreg:$0x1] =	wrdreg $0xFFFFFFFF  }
0xbc: {  	[dreg:$0x0] =	wrdreg $0x60  }
0xbd: {  	[dreg:$0x2] =	wrdreg s24  }
0xbe: {  	[dreg:$0x3] =	wrdreg $0xB  }
0xbf: {  	_ =	task.clear_ibuf [dreg:s22], $0x4FFFF;
	_ =	strace $0x90000049  }
0xc0: {  	s29 =	simm.s32 $0xB;
	_ =	strace $0x8000004B  }
0xc1: {  	_ =	swait.ge [sflag:s29], $0x1  }
0xc2: {  	[sflag:s29] =	ssyncadd.s32 $0xFFFFFFFF  }
0xc3: {  	_ =	strace $0x9000004B  }
0xc4: {  	_ =	sfence  }
0xc5: {  	s30 =	sld [smem:$0x0];
	_ =	sdelay $0x2  }
0xc6: {  	s31 =	sshll.u32 s1, $0xD;
	s1 =	sshrl.u32 s1, $0x2  }
0xc7: {  	s4 =	sand.u32 $0x4000, s31;
	s1 =	sadd.s32 s1, s30  }
0xc8: {  	s0 =	sor.u32 s4, s0;
	s1 =	sshll.u32 s1, $0x11  }
0xc9: {  	s0 =	sor.u32 s1, s0  }
0xca: {  	s0 =	sadd.s32 $0x8F2B, s0  }
0xcb: {  	[sflag:s0] =	ssyncadd.remote.s32 $0x1  }
0xcc: {  	_ =	sfence.sel $0xFFFF  }
0xcd: {  	[dreg:$0x0] =	wrdreg $0xFFFFFFFF;
	(pc) =	sbr.abs _section_cstart, $3  }
0xce: {  	[dreg:$0x1] =	wrdreg $0xFFFFFFFF  }
0xcf: {  	_ =	task.clear_ibuf [dreg:s22], $0x2FFFF;
	_ =	strace $0x9FFFFFFF  }
0xd0: {  	(tm) =	ssettm $0x7FFFFFFF  }
0xd1: {  	_ =	shalt  }
tec
execute0_lowered:
.L_overlay_start_1:
0x0: {  	(tag) =	ssettag $0x1  }
0x1: {  	s4 =	rddreg [dreg:$0x0]  }
0x2: {  	s0 =	rddreg [dreg:$0x1];
	s2 =	simm.s32 $0x0;
	s3 =	srdreg.scid  }
0x3: {  	s1 =	stileid.u32;
	s10 =	simm.s32 $0x1;
	s11 =	simm.s32 $0x0  }
0x4: {  	[smem:$0x7FF] =	sst s2;
	s5 =	sand.u32 $0x1, s3;
	s6 =	sshll.u32 s1, $0xA  }
0x5: {  	s3 =	sadd.s32 $0xEC00, s4;
	s8 =	sshll.u32 s1, $0x11;
	_ =	strace $0x8000004A  }
0x6: {  	s7 =	sshll.u32 s5, $0x9;
	s29 =	ssub.s32 $0x2, s5;
	s8 =	sadd.s32 s8, s4  }
0x7: {  	s30 =	sshll.u32 s5, $0x10;
	s6 =	sor.u32 s7, s6;
	s9 =	sshrl.u32 s29, $0x1  }
0x8: {  	s31 =	sadd.s32 s30, s8;
	s8 =	simm.s32 $0x80;
	s6 =	sadd.s32 s6, s4  }
0x9: {  	s7 =	ssub.s32 s29, s9;
	s9 =	simm.s32 $0x1000;
	s4 =	sadd.s32 $0x6C00, s6  }
0xa: {  	s5 =	smax.u32 s7, $0x1;
	s6 =	sadd.s32 $0xA1EC00, s31;
	s7 =	simm.s32 $0x2  }
.LBB2_1:
0xb: {  	[tilespmem:s2], [sflag:$0x2] =	stream.linear.gather [hbm4b:s4+s2], $0x1000, $0x38;
	[tilespmem:$0x5000] =	vst v63  }
0xc: {  	_ =	swait.ge [sflag:s7], $0x1000  }
0xd: {  	[sflag:s7] =	ssyncset.done $0x0  }
0xe: {  	s12 =	simm.s32 $0x0;
	[sflag:s7] =	ssyncadd.s32 $0xFFFFF000  }
0xf: {  	[tilespmem:s9], [sflag:$0x1] =	stream.indirect.gather [hbm4b:s3+s8], $0x80, s12, s8, $0xb8;
	[tilespmem:$0x5000] =	vst v63  }
0x10: {  	_ =	swait.ge [sflag:s10], $0x4000  }
0x11: {  	[sflag:s10] =	ssyncset.done $0x0  }
0x12: {  	[sflag:s10] =	ssyncadd.s32 $0xFFFFC000  }
0x13: {  	[hbm4b:s6+s2] =	stream.linear.scatter [tilespmem:s9], [sflag:$0x2], $0x4000, $0x38;
	[tilespmem:$0x5000] =	vst v63  }
0x14: {  	s13 =	simm.s32 $0x200;
	_ =	swait.ge [sflag:s7], $0x4000  }
0x15: {  	s14 =	simm.s32 $0x400;
	s12 =	sadd.s32 $0x800, s6;
	[sflag:s7] =	ssyncset.done $0x0  }
.LBB2_2:
0x16: {  	s15 =	sshra.s32 s13, $0x2  }
0x17: {  	[sflag:s7] =	ssyncadd.s32 $0xFFFFC000;
	s13 =	smov.u32 s14;
	s16 =	sadd.s32 $0x200, s14  }
0x18: {  	[tilespmem:s9], [sflag:$0x1] =	stream.indirect.gather [hbm4b:s3+s8], $0x80, s15, s8, $0xb8;
	[tilespmem:$0x5000] =	vst v63  }
0x19: {  	p0 =	sne.s32 s14, $0x3E00;
	_ =	swait.ge [sflag:s10], $0x4000  }
.Ltmp0:
0x1a: {  	[sflag:s10] =	ssyncset.done $0x0;
	(pc) =	sbr.rel @p0 .LBB2_2-.Ltmp0, $4  }
0x1b: {  	[sflag:s10] =	ssyncadd.s32 $0xFFFFC000  }
0x1c: {  	[hbm4b:s12+s2] =	stream.linear.scatter [tilespmem:s9], [sflag:$0x2], $0x4000, $0x38;
	[tilespmem:$0x5000] =	vst v63  }
0x1d: {  	_ =	swait.ge [sflag:s7], $0x4000  }
0x1e: {  	s14 =	smov.u32 s16;
	s12 =	sadd.s32 $0x800, s12;
	[sflag:s7] =	ssyncset.done $0x0  }
0x1f: {  	s13 =	sshra.s32 s13, $0x2;
	[sflag:s7] =	ssyncadd.s32 $0xFFFFC000  }
0x20: {  	[tilespmem:s9], [sflag:$0x1] =	stream.indirect.gather [hbm4b:s3+s8], $0x80, s13, s8, $0xb8;
	[tilespmem:$0x5000] =	vst v63  }
0x21: {  	s11 =	sadd.s32 $0x1, s11;
	_ =	swait.ge [sflag:s10], $0x4000  }
0x22: {  	p0 =	sne.s32 s11, s5;
	[sflag:s10] =	ssyncset.done $0x0  }
.Ltmp1:
0x23: {  	[sflag:s10] =	ssyncadd.s32 $0xFFFFC000;
	(pc) =	sbr.rel @p0 .LBB2_1-.Ltmp1, $4  }
0x24: {  	[hbm4b:s12+s2] =	stream.linear.scatter [tilespmem:s9], [sflag:$0x2], $0x4000, $0x38;
	[tilespmem:$0x5000] =	vst v63  }
0x25: {  	_ =	swait.ge [sflag:s7], $0x4000  }
0x26: {  	[sflag:s7] =	ssyncset.done $0x0  }
0x27: {  	[sflag:s7] =	ssyncadd.s32 $0xFFFFC000  }
0x28: {  	_ =	sfence.sel $0x180000  }
0x29: {  	[bflag:$0x0] =	sbarrier.arrive $0xFFFF  }
0x2a: {  	p0 =	sne.s32 s1, $0x0;
	_ =	strace $0x9000004A  }
0x2b: {  	s0 =	sadd.s32 @!p0 $0x100000, s0;
	[bflag:$0x2] =	sbarrier.arrive $0xFFFF  }
0x2c: {  	[sflag:s0] =	ssyncadd.tile.s32 @!p0 $0x1;
	_ =	shalt  }
.Lfunc_end2:
_tile_overlayer_lowered:
.L_overlay_start_2:
0x2d: {  	(tag) =	ssettag $0x2  }
0x2e: {  	s0 =	rddreg [dreg:$0x0];
	s2 =	stileid.u32  }
0x2f: {  	s1 =	rddreg [dreg:$0x1];
	p0 =	sne.s32 s2, $0x0  }
0x30: {  	s3 =	rddreg [dreg:$0x2];
	[bflag:$0x3] =	sbarrier.arrive $0xFFFF;
	s2 =	simm.s32 @!p0 $0x1C02  }
0x31: {  	[timem:s3], [sflag:s2] =	dma.local @!p0 [hbm:s0], s1  }
0x32: {  	s0 =	simm.s32 @!p0 $0x2  }
0x33: {  	_ =	swait.ge @!p0 [sflag:s0], s1  }
0x34: {  	s1 =	ssub.s32 @!p0 $0x0, s1;
	[sflag:s0] =	ssyncset.done @!p0 $0x0  }
0x35: {  	[sflag:s0] =	ssyncadd.s32 @!p0 s1  }
0x36: {  	[bflag:$0x3] =	sbarrier.arrive $0xFFFF  }
0x37: {  	_ =	shalt  }

// kernel: kernel.20.cloned.1.call-start
scs
__scs_entry_jumppad:
0x0: {  	(pc) =	sbr.rel $0x88, $3  }
0x1: {  	(tag) =	ssettag $0x0;
	lr =	simm.s32 $0x1  }
0x2: {  	[smem:$0x3F96] =	sst lr;
	_ =	strace $0xD0000000  }
0x3: {  	_ = 	snop  }
0x4: {  	_ = 	snop  }
0x5: {  	_ = 	snop  }
0x6: {  	_ = 	snop  }
0x7: {  	_ = 	snop  }
__scs_overlays_trampoline_lowered:
0x8: {  	[smem:$0x3FA5] =	sst s0  }
0x9: {  	[smem:$0x3FA6] =	sst s1  }
0xa: {  	[smem:$0x3FA7] =	sst s2  }
0xb: {  	[smem:$0x3FA8] =	sst s3  }
0xc: {  	[smem:$0x3FA9] =	sst s4  }
0xd: {  	[smem:$0x3FAA] =	sst s5  }
0xe: {  	[smem:$0x3FAB] =	sst s6  }
0xf: {  	[smem:$0x3FAC] =	sst s7  }
0x10: {  	[smem:$0x3FAD] =	sst s8  }
0x11: {  	[smem:$0x3FAE] =	sst s9;
	s0 =	simm.s32 @!p0 $0x0  }
0x12: {  	s1 =	sld [smem:$0x3F94];
	s0 =	simm.s32 @p0 $0x1  }
0x13: {  	[smem:$0x3FAF] =	sst s0;
	s0 =	simm.s32 @!p1 $0x0  }
0x14: {  	s2 =	sld [smem:$0x3F93];
	s0 =	simm.s32 @p1 $0x1  }
0x15: {  	[smem:$0x3FB0] =	sst s0;
	s0 =	simm.s32 @!p2 $0x0  }
0x16: {  	s3 =	sld [smem:$0x3FDB];
	s0 =	simm.s32 @p2 $0x1  }
0x17: {  	s4 =	simm.s32 $0x1BF5;
	[smem:$0x3FB2] =	sst s0  }
0x18: {  	s0 =	sld [smem:$0x3F95];
	_ =	swait.ge [sflag:s4], $0x0  }
0x19: {  	s7 =	sld [smem:$0x3F96]  }
0x1a: {  	s8 =	sadd.s32 $0xFFFFE003, lr  }
0x1b: {  	s9 =	sadd.s32 $0xFFFFFEF7, lr;
	s5 =	simm.s32 $0xFFFFFFFF;
	p2 =	slt.u32 s8, $0xFFFFF086  }
0x1c: {  	p1 =	slt.u32 s9, $0xF7A;
	s5 =	simm.s32 @!p2 $0x0  }
0x1d: {  	s5 =	simm.s32 @p1 $0x1;
	p0 =	seq.s32 s7, s2  }
0x1e: {  	s7 =	smul.u32 @!p0 $0xF7A, s2;
	p2 =	seq.s32 @!p0 s5, $0x0  }
0x1f: {  	s9 =	smul.u32 $0xF7A, s1;
	s8 =	simm.s32 @!p0 $0x1BF5;
	p2 =	por !p2, p0  }
0x20: {  	[sflag:s8] =	ssyncset.s32 @!p0 $0xFFFFF086;
	s6 =	sadd.s32 @!p0 s3, s7;
	s7 =	simm.s32 @!p0 $0x108  }
0x21: {  	s3 =	sadd.s32 s3, s9;
	s6 =	sadd.s32 @!p0 $0x88, s6;
	s7 =	simm.s32 @p2 $0x1082  }
0x22: {  	[simem:s7], [sflag:s8] =	dma.local @!p0 [hbm:s6], $0xF7A  }
0x23: {  	s9 =	sor.u32 $0xD0000000, s2;
	s6 =	simm.s32 $0x108;
	_ =	swait.ge @!p0 [sflag:s8], $0x0  }
0x24: {  	s3 =	sadd.s32 $0x88, s3;
	s6 =	simm.s32 @!p1 $0x1082;
	[sflag:s4] =	ssyncset.s32 $0xFFFFF086  }
0x25: {  	[simem:s6], [sflag:s4] =	dma.local [hbm:s3], $0xF7A  }
0x26: {  	[smem:$0x3F96] =	sst s1;
	(tag) =	ssettag s2;
	_ =	strace s9  }
0x27: {  	s1 =	sld [smem:$0x3FA6]  }
0x28: {  	s2 =	sld [smem:$0x3FA7]  }
0x29: {  	s4 =	sld [smem:$0x3FA9]  }
0x2a: {  	p0 =	seq.s32 s5, $0x0;
	s5 =	sld [smem:$0x3FAA]  }
0x2b: {  	s6 =	sld [smem:$0x3FAB]  }
0x2c: {  	s7 =	sld [smem:$0x3FAC]  }
0x2d: {  	s3 =	simm.s32 $0x108;
	s8 =	sld [smem:$0x3FAD]  }
0x2e: {  	s3 =	simm.s32 @!p0 $0x1082;
	s9 =	sld [smem:$0x3FAE]  }
0x2f: {  	lr =	sadd.s32 s0, s3;
	s0 =	sld [smem:$0x3FA5]  }
0x30: {  	s3 =	sld [smem:$0x3FA8]  }
0x31: {  	[smem:$0x3FB1] =	sst s10  }
0x32: {  	s10 =	sld [smem:$0x3FAF];
	_ =	sdelay $0x3  }
0x33: {  	p0 =	seq.s32 s10, $0x1;
	s10 =	sld [smem:$0x3FB1];
	_ =	sdelay $0x3  }
0x34: {  	[smem:$0x3FB1] =	sst s10  }
0x35: {  	s10 =	sld [smem:$0x3FB0];
	_ =	sdelay $0x3  }
0x36: {  	p1 =	seq.s32 s10, $0x1;
	s10 =	sld [smem:$0x3FB1];
	_ =	sdelay $0x3  }
0x37: {  	[smem:$0x3FB1] =	sst s10  }
0x38: {  	s10 =	sld [smem:$0x3FB2]  }
0x39: {  	_ = 	snop;
	(pc) =	sbr.ind lr, $3  }
0x3a: {  	_ = 	snop  }
0x3b: {  	_ = 	snop  }
0x3c: {  	p2 =	seq.s32 s10, $0x1;
	s10 =	sld [smem:$0x3FB1]  }
0x3d: {  	_ =	shalt  }
0x3e: {  	_ =	shalt  }
0x3f: {  	_ =	shalt  }
0x40: {  	_ =	shalt  }
0x41: {  	_ =	shalt  }
0x42: {  	_ =	shalt  }
0x43: {  	_ =	shalt  }
0x44: {  	_ =	shalt  }
0x45: {  	_ =	shalt  }
0x46: {  	_ =	shalt  }
0x47: {  	_ =	shalt  }
0x48: {  	_ =	shalt  }
0x49: {  	_ =	shalt  }
0x4a: {  	_ =	shalt  }
0x4b: {  	_ =	shalt  }
0x4c: {  	_ =	shalt  }
0x4d: {  	_ =	shalt  }
0x4e: {  	_ =	shalt  }
0x4f: {  	_ =	shalt  }
0x50: {  	_ =	shalt  }
0x51: {  	_ =	shalt  }
0x52: {  	_ =	shalt  }
0x53: {  	_ =	shalt  }
0x54: {  	_ =	shalt  }
0x55: {  	_ =	shalt  }
0x56: {  	_ =	shalt  }
0x57: {  	_ =	shalt  }
0x58: {  	_ =	shalt  }
0x59: {  	_ =	shalt  }
0x5a: {  	_ =	shalt  }
0x5b: {  	_ =	shalt  }
0x5c: {  	_ =	shalt  }
0x5d: {  	_ =	shalt  }
0x5e: {  	_ =	shalt  }
0x5f: {  	_ =	shalt  }
0x60: {  	_ =	shalt  }
0x61: {  	_ =	shalt  }
0x62: {  	_ =	shalt  }
0x63: {  	_ =	shalt  }
0x64: {  	_ =	shalt  }
0x65: {  	_ =	shalt  }
0x66: {  	_ =	shalt  }
0x67: {  	_ =	shalt  }
0x68: {  	_ =	shalt  }
0x69: {  	_ =	shalt  }
0x6a: {  	_ =	shalt  }
0x6b: {  	_ =	shalt  }
0x6c: {  	_ =	shalt  }
0x6d: {  	_ =	shalt  }
0x6e: {  	_ =	shalt  }
0x6f: {  	_ =	shalt  }
0x70: {  	_ =	shalt  }
0x71: {  	_ =	shalt  }
0x72: {  	_ =	shalt  }
0x73: {  	_ =	shalt  }
0x74: {  	_ =	shalt  }
0x75: {  	_ =	shalt  }
0x76: {  	_ =	shalt  }
0x77: {  	_ =	shalt  }
0x78: {  	_ =	shalt  }
0x79: {  	_ =	shalt  }
0x7a: {  	_ =	shalt  }
0x7b: {  	_ =	shalt  }
0x7c: {  	_ =	shalt  }
0x7d: {  	_ =	shalt  }
0x7e: {  	_ =	shalt  }
0x7f: {  	_ =	shalt  }
0x80: {  	_ =	shalt  }
0x81: {  	_ =	shalt  }
0x82: {  	_ =	shalt  }
0x83: {  	_ =	shalt  }
0x84: {  	_ =	shalt  }
0x85: {  	_ =	shalt  }
0x86: {  	_ =	shalt  }
0x87: {  	_ =	shalt  }
.Lfunc_end0:
.L_simem_size_0:
called_computation.3_lowered:
.L_overlay_start_0:
0x88: {  	s2 =	sld [smem:$0x3FD9]  }
0x89: {  	s3 =	sld [smem:$0x3FFE];
	_ =	sdelay $0x1  }
0x8a: {  	s1 =	srdreg.scid  }
0x8b: {  	s0 =	sand.u32 $0x1, s1  }
0x8c: {  	s16 =	sshll.u32 s0, $0xA;
	s2 =	sadd.s32 s3, s2  }
0x8d: {  	s2 =	sadd.s32 s2, s16  }
0x8e: {  	[smem:$0x3FBD] =	sst s2  }
0x8f: {  	_ = 	snop  }
0x90: {  	(tm) =	ssettm $0x1  }
0x91: {  	s17 =	sld [smem:$0x3FFB];
	_ =	sdelay $0x3  }
0x92: {  	_ =	strace s17  }
0x93: {  	s2 =	sld [smem:$0x3FFC];
	_ =	sdelay $0x3  }
0x94: {  	_ =	strace s2  }
0x95: {  	s2 =	sld [smem:$0x3FFD];
	_ =	sdelay $0x3  }
0x96: {  	_ =	strace s2  }
0x97: {  	_ =	strace $0x8FFFFFFF  }
0x98: {  	s18 =	sld [smem:$0x3FDB];
	_ =	sdelay $0x1  }
0x99: {  	s19 =	simm.s32 $_scs_section_size  }
0x9a: {  	s4 =	simm.s32 $_size__tile_overlayer_lowered;
	s5 =	simm.s32 $_tile_overlayer_lowered  }
0x9b: {  	s22 =	simm.s32 $0x1BFF;
	s21 =	sshll.u32 s5, $0x1;
	s2 =	sadd.s32 s19, s18  }
0x9c: {  	s6 =	simm.s32 $0x0;
	s20 =	sshll.u32 s4, $0x1;
	s4 =	sadd.s32 s21, s2  }
0x9d: {  	[timem:s6], [sflag:s22] =	dma.local [hbm:s4], s20  }
0x9e: {  	_ =	swait.ge [sflag:s22], s20  }
0x9f: {  	s3 =	ssub.s32 $0x0, s20;
	[sflag:s22] =	ssyncset.done $0x0  }
0xa0: {  	[sflag:s22] =	ssyncadd.s32 s3;
	_ =	sdelay $0x1  }
0xa1: {  	s23 =	simm.s32 $0x1B8B  }
0xa2: {  	_ =	swait.ge [sflag:s23], $0x1  }
0xa3: {  	[sflag:s23] =	ssyncset.done $0x0  }
0xa4: {  	s25 =	simm.s32 $0x1B8E;
	s24 =	sld [smem:$0x3FFE];
	[sflag:s23] =	ssyncadd.s32 $0xFFFFFFFF  }
0xa5: {  	s26 =	simm.s32 $execute0_lowered;
	[smem:$0x3FD2] =	sst s25  }
0xa6: {  	s4 =	sshll.u32 s26, $0x1;
	_ =	strace $0x80000046;
	[dreg:$0x1] =	wrdreg $0xFFFFFFFF  }
0xa7: {  	s28 =	simm.s32 $_size_execute0_lowered;
	s2 =	sadd.s32 s2, s4;
	[dreg:$0x0] =	wrdreg $0x0  }
0xa8: {  	s4 =	sshll.u32 s28, $0x1;
	[dreg:$0x2] =	wrdreg s2  }
0xa9: {  	[dreg:$0x3] =	wrdreg s4  }
0xaa: {  	[dreg:$0x4] =	wrdreg $0xC0  }
0xab: {  	_ =	task [dreg:s6], $0x5FFFF  }
0xac: {  	[dreg:$0x1] =	wrdreg $0xFFFFFFFF  }
0xad: {  	[dreg:$0x0] =	wrdreg $0x60  }
0xae: {  	[dreg:$0x2] =	wrdreg s24  }
0xaf: {  	[dreg:$0x3] =	wrdreg $0xC  }
0xb0: {  	_ =	task.clear_ibuf [dreg:s6], $0x4FFFF;
	_ =	strace $0x90000046  }
0xb1: {  	s29 =	simm.s32 $0xC;
	_ =	strace $0x80000048  }
0xb2: {  	_ =	swait.ge [sflag:s29], $0x1  }
0xb3: {  	[sflag:s29] =	ssyncadd.s32 $0xFFFFFFFF  }
0xb4: {  	_ =	strace $0x90000048  }
0xb5: {  	_ =	sfence  }
0xb6: {  	s30 =	sld [smem:$0x0];
	_ =	sdelay $0x2  }
0xb7: {  	s31 =	sshll.u32 s1, $0xD;
	s1 =	sshrl.u32 s1, $0x2  }
0xb8: {  	s3 =	sand.u32 $0x4000, s31;
	s1 =	sadd.s32 s1, s30  }
0xb9: {  	s0 =	sor.u32 s3, s0;
	s1 =	sshll.u32 s1, $0x11  }
0xba: {  	s0 =	sor.u32 s1, s0  }
0xbb: {  	s0 =	sadd.s32 $0x8F2B, s0  }
0xbc: {  	[sflag:s0] =	ssyncadd.remote.s32 $0x1  }
0xbd: {  	_ =	sfence.sel $0xFFFF  }
0xbe: {  	[dreg:$0x0] =	wrdreg $0xFFFFFFFF;
	(pc) =	sbr.abs _section_cstart, $3  }
0xbf: {  	[dreg:$0x1] =	wrdreg $0xFFFFFFFF  }
0xc0: {  	_ =	task.clear_ibuf [dreg:s6], $0x2FFFF;
	_ =	strace $0x9FFFFFFF  }
0xc1: {  	(tm) =	ssettm $0x7FFFFFFF  }
tec
execute0_lowered:
.L_overlay_start_1:
0x0: {  	(tag) =	ssettag $0x1  }
0x1: {  	s4 =	rddreg [dreg:$0x0]  }
0x2: {  	s0 =	rddreg [dreg:$0x1];
	s2 =	simm.s32 $0x0;
	s3 =	srdreg.scid  }
0x3: {  	s1 =	stileid.u32;
	s10 =	simm.s32 $0x1;
	s11 =	simm.s32 $0x0  }
0x4: {  	[smem:$0x7FF] =	sst s2;
	s5 =	sand.u32 $0x1, s3;
	s6 =	sshll.u32 s1, $0xA  }
0x5: {  	s3 =	sadd.s32 $0xEC00, s4;
	s8 =	sshll.u32 s1, $0x11;
	_ =	strace $0x80000047  }
0x6: {  	s7 =	sshll.u32 s5, $0x9;
	s29 =	ssub.s32 $0x2, s5;
	s8 =	sadd.s32 s8, s4  }
0x7: {  	s30 =	sshll.u32 s5, $0x10;
	s6 =	sor.u32 s7, s6;
	s9 =	sshrl.u32 s29, $0x1  }
0x8: {  	s31 =	sadd.s32 s30, s8;
	s8 =	simm.s32 $0x80;
	s6 =	sadd.s32 s6, s4  }
0x9: {  	s7 =	ssub.s32 s29, s9;
	s9 =	simm.s32 $0x1000;
	s4 =	sadd.s32 $0x2C00, s6  }
0xa: {  	s5 =	smax.u32 s7, $0x1;
	s6 =	sadd.s32 $0x81EC00, s31;
	s7 =	simm.s32 $0x2  }
.LBB2_1:
0xb: {  	[tilespmem:s2], [sflag:$0x2] =	stream.linear.gather [hbm4b:s4+s2], $0x1000, $0x38;
	[tilespmem:$0x5000] =	vst v63  }
0xc: {  	_ =	swait.ge [sflag:s7], $0x1000  }
0xd: {  	[sflag:s7] =	ssyncset.done $0x0  }
0xe: {  	s12 =	simm.s32 $0x0;
	[sflag:s7] =	ssyncadd.s32 $0xFFFFF000  }
0xf: {  	[tilespmem:s9], [sflag:$0x1] =	stream.indirect.gather [hbm4b:s3+s8], $0x80, s12, s8, $0xb8;
	[tilespmem:$0x5000] =	vst v63  }
0x10: {  	_ =	swait.ge [sflag:s10], $0x4000  }
0x11: {  	[sflag:s10] =	ssyncset.done $0x0  }
0x12: {  	[sflag:s10] =	ssyncadd.s32 $0xFFFFC000  }
0x13: {  	[hbm4b:s6+s2] =	stream.linear.scatter [tilespmem:s9], [sflag:$0x2], $0x4000, $0x38;
	[tilespmem:$0x5000] =	vst v63  }
0x14: {  	s13 =	simm.s32 $0x200;
	_ =	swait.ge [sflag:s7], $0x4000  }
0x15: {  	s14 =	simm.s32 $0x400;
	s12 =	sadd.s32 $0x800, s6;
	[sflag:s7] =	ssyncset.done $0x0  }
.LBB2_2:
0x16: {  	s15 =	sshra.s32 s13, $0x2  }
0x17: {  	[sflag:s7] =	ssyncadd.s32 $0xFFFFC000;
	s13 =	smov.u32 s14;
	s16 =	sadd.s32 $0x200, s14  }
0x18: {  	[tilespmem:s9], [sflag:$0x1] =	stream.indirect.gather [hbm4b:s3+s8], $0x80, s15, s8, $0xb8;
	[tilespmem:$0x5000] =	vst v63  }
0x19: {  	p0 =	sne.s32 s14, $0x3E00;
	_ =	swait.ge [sflag:s10], $0x4000  }
.Ltmp0:
0x1a: {  	[sflag:s10] =	ssyncset.done $0x0;
	(pc) =	sbr.rel @p0 .LBB2_2-.Ltmp0, $4  }
0x1b: {  	[sflag:s10] =	ssyncadd.s32 $0xFFFFC000  }
0x1c: {  	[hbm4b:s12+s2] =	stream.linear.scatter [tilespmem:s9], [sflag:$0x2], $0x4000, $0x38;
	[tilespmem:$0x5000] =	vst v63  }
0x1d: {  	_ =	swait.ge [sflag:s7], $0x4000  }
0x1e: {  	s14 =	smov.u32 s16;
	s12 =	sadd.s32 $0x800, s12;
	[sflag:s7] =	ssyncset.done $0x0  }
0x1f: {  	s13 =	sshra.s32 s13, $0x2;
	[sflag:s7] =	ssyncadd.s32 $0xFFFFC000  }
0x20: {  	[tilespmem:s9], [sflag:$0x1] =	stream.indirect.gather [hbm4b:s3+s8], $0x80, s13, s8, $0xb8;
	[tilespmem:$0x5000] =	vst v63  }
0x21: {  	s11 =	sadd.s32 $0x1, s11;
	_ =	swait.ge [sflag:s10], $0x4000  }
0x22: {  	p0 =	sne.s32 s11, s5;
	[sflag:s10] =	ssyncset.done $0x0  }
.Ltmp1:
0x23: {  	[sflag:s10] =	ssyncadd.s32 $0xFFFFC000;
	(pc) =	sbr.rel @p0 .LBB2_1-.Ltmp1, $4  }
0x24: {  	[hbm4b:s12+s2] =	stream.linear.scatter [tilespmem:s9], [sflag:$0x2], $0x4000, $0x38;
	[tilespmem:$0x5000] =	vst v63  }
0x25: {  	_ =	swait.ge [sflag:s7], $0x4000  }
0x26: {  	[sflag:s7] =	ssyncset.done $0x0  }
0x27: {  	[sflag:s7] =	ssyncadd.s32 $0xFFFFC000  }
0x28: {  	_ =	sfence.sel $0x180000  }
0x29: {  	[bflag:$0x0] =	sbarrier.arrive $0xFFFF  }
0x2a: {  	p0 =	sne.s32 s1, $0x0;
	_ =	strace $0x90000047  }
0x2b: {  	s0 =	sadd.s32 @!p0 $0x100000, s0;
	[bflag:$0x2] =	sbarrier.arrive $0xFFFF  }
0x2c: {  	[sflag:s0] =	ssyncadd.tile.s32 @!p0 $0x1;
	_ =	shalt  }
.Lfunc_end2:
_tile_overlayer_lowered:
.L_overlay_start_2:
0x2d: {  	(tag) =	ssettag $0x2  }
0x2e: {  	s0 =	rddreg [dreg:$0x0];
	s2 =	stileid.u32  }
0x2f: {  	s1 =	rddreg [dreg:$0x1];
	p0 =	sne.s32 s2, $0x0  }
0x30: {  	s3 =	rddreg [dreg:$0x2];
	[bflag:$0x3] =	sbarrier.arrive $0xFFFF;
	s2 =	simm.s32 @!p0 $0x1C02  }
0x31: {  	[timem:s3], [sflag:s2] =	dma.local @!p0 [hbm:s0], s1  }
0x32: {  	s0 =	simm.s32 @!p0 $0x2  }
0x33: {  	_ =	swait.ge @!p0 [sflag:s0], s1  }
0x34: {  	s1 =	ssub.s32 @!p0 $0x0, s1;
	[sflag:s0] =	ssyncset.done @!p0 $0x0  }
0x35: {  	[sflag:s0] =	ssyncadd.s32 @!p0 s1  }
0x36: {  	[bflag:$0x3] =	sbarrier.arrive $0xFFFF  }
0x37: {  	_ =	shalt  }

</sc_bundles>
